<compile_context>
chip_gen: v7x
topology: tpu7x:2x2x1
jax: 0.10.2.dev20260603
libtpu: 0.0.44.dev20260713+nightly
codegen_flags: <defaults>
</compile_context>

<pallas_src>
import functools

import jax
import jax.numpy as jnp
from jax import lax
from jax.experimental import pallas as pl
from jax.experimental.pallas import tpu as pltpu
from jax.experimental.pallas import tpu_sc as plsc

_BIG = 2147483647
_CV = 80
_VTC = 48000
_BV = 2000


@functools.cache
def _build_sc(V, B, c0):
  info = plsc.get_sparse_core_info()
  NC, NS, L = info.num_cores, info.num_subcores, info.num_lanes
  NW = NC * NS
  NG = B // L
  assert B % L == 0 and V % _CV == 0
  nch = V // _CV - c0
  base_c = nch // NW
  extra = nch - base_c * NW
  vu = 2
  assert _CV % vu == 0

  mesh = plsc.VectorSubcoreMesh(core_axis_name="c", subcore_axis_name="s")

  @functools.partial(
      pl.kernel,
      out_type=(
          jax.ShapeDtypeStruct((NW * B,), jnp.float32),
          jax.ShapeDtypeStruct((NW * B,), jnp.int32),
          jax.ShapeDtypeStruct((NW * B,), jnp.float32),
          jax.ShapeDtypeStruct((NW * B,), jnp.float32),
      ),
      mesh=mesh,
      compiler_params=pltpu.CompilerParams(needs_layout_passes=False),
      scratch_types=[
          pltpu.VMEM((_CV, B), jnp.float32),
          pltpu.VMEM((_CV, B), jnp.float32),
          pltpu.VMEM((B,), jnp.float32),
          pltpu.VMEM((B,), jnp.int32),
          pltpu.VMEM((B,), jnp.float32),
          pltpu.VMEM((B,), jnp.float32),
          pltpu.SemaphoreType.DMA,
          pltpu.SemaphoreType.DMA,
      ],
  )
  def sc_kernel(logits_t, m_out, i_out, s_out, t_out,
                buf0, buf1, m_st, i_st, s_st, t_st, sem0, sem1):
    wid = lax.axis_index("c") * NS + lax.axis_index("s")
    cut = NW - extra
    start = c0 + base_c * wid + jnp.maximum(wid - cut, 0)
    cnt = base_c + (wid >= cut).astype(jnp.int32)
    bufs = (buf0, buf1)
    sems = (sem0, sem1)
    lane = lax.iota(jnp.int32, L)
    NEG = jnp.float32(-3.0e38)

    def fetch(c, b):
      v0 = pl.multiple_of((start + c) * _CV, 8)
      pltpu.make_async_copy(
          logits_t.at[pl.ds(v0, _CV)], bufs[b], sems[b]).start()

    def wait(b):
      pltpu.make_async_copy(
          logits_t.at[pl.ds(0, _CV)], bufs[b], sems[b]).wait()

    fetch(jnp.int32(0), 0)
    fetch(jnp.int32(1), 1)

    def init_state():
      st = []
      st += [jnp.full((L,), NEG, jnp.float32) for _ in range(NG)]
      st += [jnp.zeros((L,), jnp.int32) for _ in range(NG)]
      st += [jnp.zeros((L,), jnp.float32) for _ in range(NG)]
      st += [jnp.zeros((L,), jnp.float32) for _ in range(NG)]
      return tuple(st)

    def sweep(c, b, state):
      buf = bufs[b]
      vbase = (start + c) * _CV

      def body(j, st):
        st = list(st)
        for u in range(vu):
          vl = j * vu + u
          vid = jnp.broadcast_to(vbase + vl, (L,))
          for g in range(NG):
            m, i = st[g], st[NG + g]
            s, t = st[2 * NG + g], st[3 * NG + g]
            x = buf[vl, pl.ds(g * L, L)]
            e = jnp.exp(x)
            s = s + e
            t = t + x * e
            gt = x > m
            m = jnp.where(gt, x, m)
            i = jnp.where(gt, vid, i)
            st[g], st[NG + g] = m, i
            st[2 * NG + g], st[3 * NG + g] = s, t
        return tuple(st)

      return lax.fori_loop(0, _CV // vu, body, state)

    def pair_body(i, st):
      cA = i * 2
      wait(0)
      st = sweep(cA, 0, st)
      fetch(jnp.minimum(cA + 2, cnt - 1), 0)
      wait(1)
      st = sweep(cA + 1, 1, st)
      fetch(jnp.minimum(cA + 3, cnt - 1), 1)
      return st

    state = lax.fori_loop(0, cnt >> 1, pair_body, init_state())
    wait(0)
    state = lax.cond((cnt & 1) == 1,
                     lambda st: sweep(cnt - 1, 0, st),
                     lambda st: st,
                     state)
    wait(1)

    for g in range(NG):
      m_st[pl.ds(g * L, L)] = state[g]
      i_st[pl.ds(g * L, L)] = state[NG + g]
      s_st[pl.ds(g * L, L)] = state[2 * NG + g]
      t_st[pl.ds(g * L, L)] = state[3 * NG + g]
    ob = pl.multiple_of(wid * B, 8)
    pltpu.sync_copy(m_st, m_out.at[pl.ds(ob, B)])
    pltpu.sync_copy(i_st, i_out.at[pl.ds(ob, B)])
    pltpu.sync_copy(s_st, s_out.at[pl.ds(ob, B)])
    pltpu.sync_copy(t_st, t_out.at[pl.ds(ob, B)])

  return sc_kernel, NW


@functools.cache
def _build_tc(V, B):
  ntc = _VTC // _BV
  nsub = _BV // 8

  def tc_kernel(x_ref, m_ref, i_ref, s_ref, t_ref,
                ma, ia, sa, ta):
    c = pl.program_id(0)

    @pl.when(c == 0)
    def _():
      ma[...] = jnp.full((8, B), -3.0e38, jnp.float32)
      ia[...] = jnp.zeros((8, B), jnp.int32)
      sa[...] = jnp.zeros((8, B), jnp.float32)
      ta[...] = jnp.zeros((8, B), jnp.float32)

    xr = x_ref[...].reshape(nsub, 8, B)
    e = jnp.exp(xr)
    s_blk = jnp.sum(e, axis=0)
    t_blk = jnp.sum(xr * e, axis=0)
    m_blk = jnp.max(xr, axis=0)
    vid = (jax.lax.broadcasted_iota(jnp.int32, (nsub, 8, B), 0) * 8
           + jax.lax.broadcasted_iota(jnp.int32, (nsub, 8, B), 1) + c * _BV)
    i_blk = jnp.min(jnp.where(xr == m_blk[None], vid, jnp.int32(_BIG)),
                    axis=0)
    gt = m_blk > ma[...]
    ia[...] = jnp.where(gt, i_blk, ia[...])
    ma[...] = jnp.maximum(ma[...], m_blk)
    sa[...] = sa[...] + s_blk
    ta[...] = ta[...] + t_blk

    @pl.when(c == ntc - 1)
    def _():
      m_ref[...] = ma[...]
      i_ref[...] = ia[...]
      s_ref[...] = sa[...]
      t_ref[...] = ta[...]

  return pl.pallas_call(
      tc_kernel,
      grid=(ntc,),
      in_specs=[pl.BlockSpec((_BV, B), lambda c: (c, 0))],
      out_specs=[pl.BlockSpec((8, B), lambda c: (0, 0))] * 4,
      out_shape=(
          jax.ShapeDtypeStruct((8, B), jnp.float32),
          jax.ShapeDtypeStruct((8, B), jnp.int32),
          jax.ShapeDtypeStruct((8, B), jnp.float32),
          jax.ShapeDtypeStruct((8, B), jnp.float32),
      ),
      scratch_shapes=[
          pltpu.VMEM((8, B), jnp.float32),
          pltpu.VMEM((8, B), jnp.int32),
          pltpu.VMEM((8, B), jnp.float32),
          pltpu.VMEM((8, B), jnp.float32),
      ],
  )


@functools.cache
def _build_merge(NW, B):
  def merge_kernel(m_ref, i_ref, s_ref, t_ref,
                   mt_ref, it_ref, st_ref, tt_ref,
                   msg_ref, logp_ref, ent_ref):
    m = jnp.maximum(jnp.max(m_ref[...], axis=0),
                    jnp.max(mt_ref[...], axis=0))
    cand = jnp.minimum(
        jnp.min(jnp.where(m_ref[...] == m[None, :], i_ref[...],
                          jnp.int32(_BIG)), axis=0),
        jnp.min(jnp.where(mt_ref[...] == m[None, :], it_ref[...],
                          jnp.int32(_BIG)), axis=0))
    s = jnp.sum(s_ref[...], axis=0) + jnp.sum(st_ref[...], axis=0)
    t = jnp.sum(t_ref[...], axis=0) + jnp.sum(tt_ref[...], axis=0)
    logz = jnp.log(s)
    msg_ref[...] = cand
    logp_ref[...] = m - logz
    ent_ref[...] = logz - t / s

  return pl.pallas_call(
      merge_kernel,
      out_shape=(
          jax.ShapeDtypeStruct((B,), jnp.int32),
          jax.ShapeDtypeStruct((B,), jnp.float32),
          jax.ShapeDtypeStruct((B,), jnp.float32),
      ),
  )


def kernel(message_logits, answer_logits):
  B, V = message_logits.shape
  lt = message_logits.T
  fn, nw = _build_sc(V, B, _VTC // _CV)
  mp, ip, sp, tp = fn(lt)
  mt, it, st, tt = _build_tc(V, B)(lt)
  merge = _build_merge(nw, B)
  msg, logp, ent = merge(mp.reshape(nw, B), ip.reshape(nw, B),
                         sp.reshape(nw, B), tp.reshape(nw, B),
                         mt, it, st, tt)
  return (msg, answer_logits, logp, ent)

# --- scband reference (transcript-rebuilt; emitter-appended) ---
"""Pipeline reference for scband-reinforce-wrapper-34780645163570 (READ-ONLY COPY).

The authoritative reference and input builder live on the scoring server;
editing this copy changes nothing except your own understanding.
"""

import jax, jax.numpy as jnp
import numpy as np

B = 128
V = 100000
A = 128

def setup_inputs(seed: int = 0) -> dict:
    key = jax.random.key(seed)
    k1, k2 = jax.random.split(key)
    message_logits = jax.random.normal(k1, (B, V), dtype=jnp.float32)
    answer_logits = jax.random.normal(k2, (B, A), dtype=jnp.float32)
    return {"message_logits": message_logits, "answer_logits": answer_logits}

def reference(message_logits, answer_logits):
    # ReinforceWrapper.forward over precomputed agent outputs (eval mode: argmax sampling).
    # Categorical(logits=...): normalize logits via log_softmax
    logp = jax.nn.log_softmax(message_logits, axis=-1)
    p = jnp.exp(logp)
    # distr.entropy() = -sum p * logp over last dim
    entropy = -jnp.sum(p * logp, axis=-1)
    # eval path: message = argmax(logits, dim=1)
    message = jnp.argmax(message_logits, axis=1)
    # distr.log_prob(message) = gather of normalized log-probs
    log_prob = jnp.take_along_axis(logp, message[:, None], axis=1)[:, 0]
    return (message, answer_logits, log_prob, entropy)

if __name__ == "__main__":
    import jax
    _d = setup_inputs()
    print(jax.jit(kernel)(*tuple(_d.values())))

</pallas_src>

<mosaic_0001>
#map = affine_map<(d0, d1) -> (0, 0)>
#map1 = affine_map<(d0, d1) -> (0)>
module attributes {stable_mosaic.version = 14 : i64} {
  func.func @sc_kernel(%arg0: i32, %arg1: i32, %arg2: memref<100000x128xf32, #tpu.memory_space<hbm>>, %arg3: memref<4096xf32, #tpu.memory_space<hbm>>, %arg4: memref<4096xi32, #tpu.memory_space<hbm>>, %arg5: memref<4096xf32, #tpu.memory_space<hbm>>, %arg6: memref<4096xf32, #tpu.memory_space<hbm>>, %arg7: memref<80x128xf32, #tpu.memory_space<vmem>>, %arg8: memref<80x128xf32, #tpu.memory_space<vmem>>, %arg9: memref<128xf32, #tpu.memory_space<vmem>>, %arg10: memref<128xi32, #tpu.memory_space<vmem>>, %arg11: memref<128xf32, #tpu.memory_space<vmem>>, %arg12: memref<128xf32, #tpu.memory_space<vmem>>, %arg13: memref<!tpu.dma_semaphore, #tpu.memory_space<semaphore_mem>>, %arg14: memref<!tpu.dma_semaphore, #tpu.memory_space<semaphore_mem>>) attributes {dimension_semantics = [#tpu.dimension_semantics<core_parallel>, #tpu.dimension_semantics<subcore_parallel>], iteration_bounds = array<i64: 2, 16>, scalar_prefetch = 0 : i64, scratch_operands = 8 : i64, tpu.core_type = #tpu.core_type<sc_vector_subcore>, window_params = [{transform_indices = #map}, {transform_indices = #map1}, {transform_indices = #map1}, {transform_indices = #map1}, {transform_indices = #map1}]} {
    %mul3A = arith.constant 16 : i32
    %mul3A_0 = arith.muli %arg0, %mul3A : i32
    %add3A = arith.addi %mul3A_0, %arg1 : i32
    %mul3A_1 = arith.constant 20 : i32
    %mul3A_2 = arith.muli %mul3A_1, %add3A : i32
    %add3A_3 = arith.constant 600 : i32
    %add3A_4 = arith.addi %add3A_3, %mul3A_2 : i32
    %sub3A = arith.constant 22 : i32
    %sub3A_5 = arith.subi %add3A, %sub3A : i32
    %max3A = arith.constant 0 : i32
    %max3A_6 = arith.maxsi %sub3A_5, %max3A : i32
    %add3A_7 = arith.addi %add3A_4, %max3A_6 : i32
    %ge3A = arith.constant 22 : i32
    %ge3A_8 = arith.cmpi sge, %add3A, %ge3A : i32
    %convert_element_type3A = arith.extui %ge3A_8 : i1 to i32
    %add3A_9 = arith.constant 20 : i32
    %add3A_10 = arith.addi %add3A_9, %convert_element_type3A : i32
    %iota3A = tpu.iota {dimensions = array<i32: 0>} : vector<16xi32>
    %add3A_11 = arith.constant 0 : i32
    %add3A_12 = arith.addi %add3A_7, %add3A_11 : i32
    %mul3A_13 = arith.constant 80 : i32
    %mul3A_14 = arith.muli %add3A_12, %mul3A_13 : i32
    %multiple_of3A = tpu.assume_multiple %mul3A_14, 8 : i32
    %dma_start3A = arith.constant 0 : i32
    %dma_start3A_15 = tpu.memref_slice %arg2[%multiple_of3A, %dma_start3A] : memref<100000x128xf32, #tpu.memory_space<hbm>> -> memref<80x128xf32, #tpu.memory_space<hbm>>
    %dma_start3A_16 = arith.constant 0 : i32
    %dma_start3A_17 = tpu.memref_slice %arg2[%multiple_of3A, %dma_start3A_16] : memref<100000x128xf32, #tpu.memory_space<hbm>> -> memref<80x128xf32, #tpu.memory_space<hbm>>
    tpu.enqueue_dma source(%dma_start3A_17 : memref<80x128xf32, #tpu.memory_space<hbm>>) target(%arg7 : memref<80x128xf32, #tpu.memory_space<vmem>>) target_semaphore(%arg13 : memref<!tpu.dma_semaphore, #tpu.memory_space<semaphore_mem>>)
    %add3A_18 = arith.constant 1 : i32
    %add3A_19 = arith.addi %add3A_7, %add3A_18 : i32
    %mul3A_20 = arith.constant 80 : i32
    %mul3A_21 = arith.muli %add3A_19, %mul3A_20 : i32
    %multiple_of3A_22 = tpu.assume_multiple %mul3A_21, 8 : i32
    %dma_start3A_23 = arith.constant 0 : i32
    %dma_start3A_24 = tpu.memref_slice %arg2[%multiple_of3A_22, %dma_start3A_23] : memref<100000x128xf32, #tpu.memory_space<hbm>> -> memref<80x128xf32, #tpu.memory_space<hbm>>
    %dma_start3A_25 = arith.constant 0 : i32
    %dma_start3A_26 = tpu.memref_slice %arg2[%multiple_of3A_22, %dma_start3A_25] : memref<100000x128xf32, #tpu.memory_space<hbm>> -> memref<80x128xf32, #tpu.memory_space<hbm>>
    tpu.enqueue_dma source(%dma_start3A_26 : memref<80x128xf32, #tpu.memory_space<hbm>>) target(%arg8 : memref<80x128xf32, #tpu.memory_space<vmem>>) target_semaphore(%arg14 : memref<!tpu.dma_semaphore, #tpu.memory_space<semaphore_mem>>)
    %shift_right_arithmetic3A = arith.constant 1 : i32
    %shift_right_arithmetic3A_27 = arith.shrsi %add3A_10, %shift_right_arithmetic3A : i32
    %broadcast_in_dim3A = arith.constant -3.000000e+38 : f32
    %broadcast_in_dim3A_28 = vector.broadcast %broadcast_in_dim3A : f32 to vector<16xf32>
    %broadcast_in_dim3A_29 = arith.constant -3.000000e+38 : f32
    %broadcast_in_dim3A_30 = vector.broadcast %broadcast_in_dim3A_29 : f32 to vector<16xf32>
    %broadcast_in_dim3A_31 = arith.constant -3.000000e+38 : f32
    %broadcast_in_dim3A_32 = vector.broadcast %broadcast_in_dim3A_31 : f32 to vector<16xf32>
    %broadcast_in_dim3A_33 = arith.constant -3.000000e+38 : f32
    %broadcast_in_dim3A_34 = vector.broadcast %broadcast_in_dim3A_33 : f32 to vector<16xf32>
    %broadcast_in_dim3A_35 = arith.constant -3.000000e+38 : f32
    %broadcast_in_dim3A_36 = vector.broadcast %broadcast_in_dim3A_35 : f32 to vector<16xf32>
    %broadcast_in_dim3A_37 = arith.constant -3.000000e+38 : f32
    %broadcast_in_dim3A_38 = vector.broadcast %broadcast_in_dim3A_37 : f32 to vector<16xf32>
    %broadcast_in_dim3A_39 = arith.constant -3.000000e+38 : f32
    %broadcast_in_dim3A_40 = vector.broadcast %broadcast_in_dim3A_39 : f32 to vector<16xf32>
    %broadcast_in_dim3A_41 = arith.constant -3.000000e+38 : f32
    %broadcast_in_dim3A_42 = vector.broadcast %broadcast_in_dim3A_41 : f32 to vector<16xf32>
    %broadcast_in_dim3A_43 = arith.constant 0 : i32
    %broadcast_in_dim3A_44 = vector.broadcast %broadcast_in_dim3A_43 : i32 to vector<16xi32>
    %broadcast_in_dim3A_45 = arith.constant 0 : i32
    %broadcast_in_dim3A_46 = vector.broadcast %broadcast_in_dim3A_45 : i32 to vector<16xi32>
    %broadcast_in_dim3A_47 = arith.constant 0 : i32
    %broadcast_in_dim3A_48 = vector.broadcast %broadcast_in_dim3A_47 : i32 to vector<16xi32>
    %broadcast_in_dim3A_49 = arith.constant 0 : i32
    %broadcast_in_dim3A_50 = vector.broadcast %broadcast_in_dim3A_49 : i32 to vector<16xi32>
    %broadcast_in_dim3A_51 = arith.constant 0 : i32
    %broadcast_in_dim3A_52 = vector.broadcast %broadcast_in_dim3A_51 : i32 to vector<16xi32>
    %broadcast_in_dim3A_53 = arith.constant 0 : i32
    %broadcast_in_dim3A_54 = vector.broadcast %broadcast_in_dim3A_53 : i32 to vector<16xi32>
    %broadcast_in_dim3A_55 = arith.constant 0 : i32
    %broadcast_in_dim3A_56 = vector.broadcast %broadcast_in_dim3A_55 : i32 to vector<16xi32>
    %broadcast_in_dim3A_57 = arith.constant 0 : i32
    %broadcast_in_dim3A_58 = vector.broadcast %broadcast_in_dim3A_57 : i32 to vector<16xi32>
    %broadcast_in_dim3A_59 = arith.constant 0.000000e+00 : f32
    %broadcast_in_dim3A_60 = vector.broadcast %broadcast_in_dim3A_59 : f32 to vector<16xf32>
    %broadcast_in_dim3A_61 = arith.constant 0.000000e+00 : f32
    %broadcast_in_dim3A_62 = vector.broadcast %broadcast_in_dim3A_61 : f32 to vector<16xf32>
    %broadcast_in_dim3A_63 = arith.constant 0.000000e+00 : f32
    %broadcast_in_dim3A_64 = vector.broadcast %broadcast_in_dim3A_63 : f32 to vector<16xf32>
    %broadcast_in_dim3A_65 = arith.constant 0.000000e+00 : f32
    %broadcast_in_dim3A_66 = vector.broadcast %broadcast_in_dim3A_65 : f32 to vector<16xf32>
    %broadcast_in_dim3A_67 = arith.constant 0.000000e+00 : f32
    %broadcast_in_dim3A_68 = vector.broadcast %broadcast_in_dim3A_67 : f32 to vector<16xf32>
    %broadcast_in_dim3A_69 = arith.constant 0.000000e+00 : f32
    %broadcast_in_dim3A_70 = vector.broadcast %broadcast_in_dim3A_69 : f32 to vector<16xf32>
    %broadcast_in_dim3A_71 = arith.constant 0.000000e+00 : f32
    %broadcast_in_dim3A_72 = vector.broadcast %broadcast_in_dim3A_71 : f32 to vector<16xf32>
    %broadcast_in_dim3A_73 = arith.constant 0.000000e+00 : f32
    %broadcast_in_dim3A_74 = vector.broadcast %broadcast_in_dim3A_73 : f32 to vector<16xf32>
    %broadcast_in_dim3A_75 = arith.constant 0.000000e+00 : f32
    %broadcast_in_dim3A_76 = vector.broadcast %broadcast_in_dim3A_75 : f32 to vector<16xf32>
    %broadcast_in_dim3A_77 = arith.constant 0.000000e+00 : f32
    %broadcast_in_dim3A_78 = vector.broadcast %broadcast_in_dim3A_77 : f32 to vector<16xf32>
    %broadcast_in_dim3A_79 = arith.constant 0.000000e+00 : f32
    %broadcast_in_dim3A_80 = vector.broadcast %broadcast_in_dim3A_79 : f32 to vector<16xf32>
    %broadcast_in_dim3A_81 = arith.constant 0.000000e+00 : f32
    %broadcast_in_dim3A_82 = vector.broadcast %broadcast_in_dim3A_81 : f32 to vector<16xf32>
    %broadcast_in_dim3A_83 = arith.constant 0.000000e+00 : f32
    %broadcast_in_dim3A_84 = vector.broadcast %broadcast_in_dim3A_83 : f32 to vector<16xf32>
    %broadcast_in_dim3A_85 = arith.constant 0.000000e+00 : f32
    %broadcast_in_dim3A_86 = vector.broadcast %broadcast_in_dim3A_85 : f32 to vector<16xf32>
    %broadcast_in_dim3A_87 = arith.constant 0.000000e+00 : f32
    %broadcast_in_dim3A_88 = vector.broadcast %broadcast_in_dim3A_87 : f32 to vector<16xf32>
    %broadcast_in_dim3A_89 = arith.constant 0.000000e+00 : f32
    %broadcast_in_dim3A_90 = vector.broadcast %broadcast_in_dim3A_89 : f32 to vector<16xf32>
    %while3A = arith.constant 0 : i32
    %while3A_91 = arith.subi %shift_right_arithmetic3A_27, %while3A : i32
    %while3A_92 = arith.addi %while3A, %while3A_91 : i32
    %while3A_93 = arith.constant 1 : i32
    %while3A_94 = arith.divsi %while3A_91, %while3A_93 : i32
    %while3A_95 = arith.muli %while3A_94, %while3A_93 : i32
    %while3A_96 = arith.addi %while3A, %while3A_95 : i32
    %while3A_97 = arith.constant 1 : i32
    %while3A_98:32 = scf.for %while3A_183 = %while3A to %while3A_96 step %while3A_97 iter_args(%while3A_184 = %broadcast_in_dim3A_28, %while3A_185 = %broadcast_in_dim3A_30, %while3A_186 = %broadcast_in_dim3A_32, %while3A_187 = %broadcast_in_dim3A_34, %while3A_188 = %broadcast_in_dim3A_36, %while3A_189 = %broadcast_in_dim3A_38, %while3A_190 = %broadcast_in_dim3A_40, %while3A_191 = %broadcast_in_dim3A_42, %while3A_192 = %broadcast_in_dim3A_44, %while3A_193 = %broadcast_in_dim3A_46, %while3A_194 = %broadcast_in_dim3A_48, %while3A_195 = %broadcast_in_dim3A_50, %while3A_196 = %broadcast_in_dim3A_52, %while3A_197 = %broadcast_in_dim3A_54, %while3A_198 = %broadcast_in_dim3A_56, %while3A_199 = %broadcast_in_dim3A_58, %while3A_200 = %broadcast_in_dim3A_60, %while3A_201 = %broadcast_in_dim3A_62, %while3A_202 = %broadcast_in_dim3A_64, %while3A_203 = %broadcast_in_dim3A_66, %while3A_204 = %broadcast_in_dim3A_68, %while3A_205 = %broadcast_in_dim3A_70, %while3A_206 = %broadcast_in_dim3A_72, %while3A_207 = %broadcast_in_dim3A_74, %while3A_208 = %broadcast_in_dim3A_76, %while3A_209 = %broadcast_in_dim3A_78, %while3A_210 = %broadcast_in_dim3A_80, %while3A_211 = %broadcast_in_dim3A_82, %while3A_212 = %broadcast_in_dim3A_84, %while3A_213 = %broadcast_in_dim3A_86, %while3A_214 = %broadcast_in_dim3A_88, %while3A_215 = %broadcast_in_dim3A_90) -> (vector<16xf32>, vector<16xf32>, vector<16xf32>, vector<16xf32>, vector<16xf32>, vector<16xf32>, vector<16xf32>, vector<16xf32>, vector<16xi32>, vector<16xi32>, vector<16xi32>, vector<16xi32>, vector<16xi32>, vector<16xi32>, vector<16xi32>, vector<16xi32>, vector<16xf32>, vector<16xf32>, vector<16xf32>, vector<16xf32>, vector<16xf32>, vector<16xf32>, vector<16xf32>, vector<16xf32>, vector<16xf32>, vector<16xf32>, vector<16xf32>, vector<16xf32>, vector<16xf32>, vector<16xf32>, vector<16xf32>, vector<16xf32>)  : i32 {
      %mul3A_216 = arith.constant 2 : i32
      %mul3A_217 = arith.muli %while3A_183, %mul3A_216 : i32
      %dma_wait3A_218 = arith.constant 0 : i32
      %dma_wait3A_219 = arith.constant 0 : i32
      %dma_wait3A_220 = tpu.memref_slice %arg2[%dma_wait3A_218, %dma_wait3A_219] : memref<100000x128xf32, #tpu.memory_space<hbm>> -> memref<80x128xf32, #tpu.memory_space<hbm>>
      %dma_wait3A_221 = arith.constant 0 : i32
      %dma_wait3A_222 = arith.constant 0 : i32
      %dma_wait3A_223 = tpu.memref_slice %arg2[%dma_wait3A_221, %dma_wait3A_222] : memref<100000x128xf32, #tpu.memory_space<hbm>> -> memref<80x128xf32, #tpu.memory_space<hbm>>
      tpu.wait_dma2 semaphore(%arg13 : memref<!tpu.dma_semaphore, #tpu.memory_space<semaphore_mem>>) src(%dma_wait3A_223 : memref<80x128xf32, #tpu.memory_space<hbm>>) dst(%arg7 : memref<80x128xf32, #tpu.memory_space<vmem>>)
      %add3A_224 = arith.addi %add3A_7, %mul3A_217 : i32
      %mul3A_225 = arith.constant 80 : i32
      %mul3A_226 = arith.muli %add3A_224, %mul3A_225 : i32
      %scan3A = arith.constant 0 : i32
      %scan3A_227 = arith.constant 40 : i32
      %scan3A_228 = arith.addi %scan3A, %scan3A_227 : i32
      %scan3A_229 = arith.constant 1 : i32
      %scan3A_230:32 = scf.for %scan3A_274 = %scan3A to %scan3A_228 step %scan3A_229 iter_args(%scan3A_275 = %while3A_184, %scan3A_276 = %while3A_185, %scan3A_277 = %while3A_186, %scan3A_278 = %while3A_187, %scan3A_279 = %while3A_188, %scan3A_280 = %while3A_189, %scan3A_281 = %while3A_190, %scan3A_282 = %while3A_191, %scan3A_283 = %while3A_192, %scan3A_284 = %while3A_193, %scan3A_285 = %while3A_194, %scan3A_286 = %while3A_195, %scan3A_287 = %while3A_196, %scan3A_288 = %while3A_197, %scan3A_289 = %while3A_198, %scan3A_290 = %while3A_199, %scan3A_291 = %while3A_200, %scan3A_292 = %while3A_201, %scan3A_293 = %while3A_202, %scan3A_294 = %while3A_203, %scan3A_295 = %while3A_204, %scan3A_296 = %while3A_205, %scan3A_297 = %while3A_206, %scan3A_298 = %while3A_207, %scan3A_299 = %while3A_208, %scan3A_300 = %while3A_209, %scan3A_301 = %while3A_210, %scan3A_302 = %while3A_211, %scan3A_303 = %while3A_212, %scan3A_304 = %while3A_213, %scan3A_305 = %while3A_214, %scan3A_306 = %while3A_215) -> (vector<16xf32>, vector<16xf32>, vector<16xf32>, vector<16xf32>, vector<16xf32>, vector<16xf32>, vector<16xf32>, vector<16xf32>, vector<16xi32>, vector<16xi32>, vector<16xi32>, vector<16xi32>, vector<16xi32>, vector<16xi32>, vector<16xi32>, vector<16xi32>, vector<16xf32>, vector<16xf32>, vector<16xf32>, vector<16xf32>, vector<16xf32>, vector<16xf32>, vector<16xf32>, vector<16xf32>, vector<16xf32>, vector<16xf32>, vector<16xf32>, vector<16xf32>, vector<16xf32>, vector<16xf32>, vector<16xf32>, vector<16xf32>)  : i32 {
        %mul3A_307 = arith.constant 2 : i32
        %mul3A_308 = arith.muli %scan3A_274, %mul3A_307 : i32
        %add3A_309 = arith.constant 0 : i32
        %add3A_310 = arith.addi %mul3A_308, %add3A_309 : i32
        %add3A_311 = arith.addi %mul3A_226, %add3A_310 : i32
        %broadcast_in_dim3A_312 = vector.broadcast %add3A_311 : i32 to vector<16xi32>
        %get3A = arith.index_cast %add3A_310 : i32 to index
        %get3A_313 = arith.constant 0 : index
        %get3A_314 = tpu.vector_load %arg7[%get3A, %get3A_313] {strides = array<i32>} : memref<80x128xf32, #tpu.memory_space<vmem>>, vector<16xf32>,
        %exp3A = math.exp %get3A_314 : vector<16xf32>
        %add3A_315 = arith.addf %scan3A_291, %exp3A : vector<16xf32>
        %mul3A_316 = arith.mulf %get3A_314, %exp3A : vector<16xf32>
        %add3A_317 = arith.addf %scan3A_299, %mul3A_316 : vector<16xf32>
        %gt3A = arith.cmpf ogt, %get3A_314, %scan3A_275 : vector<16xf32>
        %select_n3A = arith.select %gt3A, %get3A_314, %scan3A_275 : vector<16xi1>, vector<16xf32>
        %select_n3A_318 = arith.select %gt3A, %broadcast_in_dim3A_312, %scan3A_283 : vector<16xi1>, vector<16xi32>
        %get3A_319 = arith.index_cast %add3A_310 : i32 to index
        %get3A_320 = arith.constant 16 : index
        %get3A_321 = tpu.vector_load %arg7[%get3A_319, %get3A_320] {strides = array<i32>} : memref<80x128xf32, #tpu.memory_space<vmem>>, vector<16xf32>,
        %exp3A_322 = math.exp %get3A_321 : vector<16xf32>
        %add3A_323 = arith.addf %scan3A_292, %exp3A_322 : vector<16xf32>
        %mul3A_324 = arith.mulf %get3A_321, %exp3A_322 : vector<16xf32>
        %add3A_325 = arith.addf %scan3A_300, %mul3A_324 : vector<16xf32>
        %gt3A_326 = arith.cmpf ogt, %get3A_321, %scan3A_276 : vector<16xf32>
        %select_n3A_327 = arith.select %gt3A_326, %get3A_321, %scan3A_276 : vector<16xi1>, vector<16xf32>
        %select_n3A_328 = arith.select %gt3A_326, %broadcast_in_dim3A_312, %scan3A_284 : vector<16xi1>, vector<16xi32>
        %get3A_329 = arith.index_cast %add3A_310 : i32 to index
        %get3A_330 = arith.constant 32 : index
        %get3A_331 = tpu.vector_load %arg7[%get3A_329, %get3A_330] {strides = array<i32>} : memref<80x128xf32, #tpu.memory_space<vmem>>, vector<16xf32>,
        %exp3A_332 = math.exp %get3A_331 : vector<16xf32>
        %add3A_333 = arith.addf %scan3A_293, %exp3A_332 : vector<16xf32>
        %mul3A_334 = arith.mulf %get3A_331, %exp3A_332 : vector<16xf32>
        %add3A_335 = arith.addf %scan3A_301, %mul3A_334 : vector<16xf32>
        %gt3A_336 = arith.cmpf ogt, %get3A_331, %scan3A_277 : vector<16xf32>
        %select_n3A_337 = arith.select %gt3A_336, %get3A_331, %scan3A_277 : vector<16xi1>, vector<16xf32>
        %select_n3A_338 = arith.select %gt3A_336, %broadcast_in_dim3A_312, %scan3A_285 : vector<16xi1>, vector<16xi32>
        %get3A_339 = arith.index_cast %add3A_310 : i32 to index
        %get3A_340 = arith.constant 48 : index
        %get3A_341 = tpu.vector_load %arg7[%get3A_339, %get3A_340] {strides = array<i32>} : memref<80x128xf32, #tpu.memory_space<vmem>>, vector<16xf32>,
        %exp3A_342 = math.exp %get3A_341 : vector<16xf32>
        %add3A_343 = arith.addf %scan3A_294, %exp3A_342 : vector<16xf32>
        %mul3A_344 = arith.mulf %get3A_341, %exp3A_342 : vector<16xf32>
        %add3A_345 = arith.addf %scan3A_302, %mul3A_344 : vector<16xf32>
        %gt3A_346 = arith.cmpf ogt, %get3A_341, %scan3A_278 : vector<16xf32>
        %select_n3A_347 = arith.select %gt3A_346, %get3A_341, %scan3A_278 : vector<16xi1>, vector<16xf32>
        %select_n3A_348 = arith.select %gt3A_346, %broadcast_in_dim3A_312, %scan3A_286 : vector<16xi1>, vector<16xi32>
        %get3A_349 = arith.index_cast %add3A_310 : i32 to index
        %get3A_350 = arith.constant 64 : index
        %get3A_351 = tpu.vector_load %arg7[%get3A_349, %get3A_350] {strides = array<i32>} : memref<80x128xf32, #tpu.memory_space<vmem>>, vector<16xf32>,
        %exp3A_352 = math.exp %get3A_351 : vector<16xf32>
        %add3A_353 = arith.addf %scan3A_295, %exp3A_352 : vector<16xf32>
        %mul3A_354 = arith.mulf %get3A_351, %exp3A_352 : vector<16xf32>
        %add3A_355 = arith.addf %scan3A_303, %mul3A_354 : vector<16xf32>
        %gt3A_356 = arith.cmpf ogt, %get3A_351, %scan3A_279 : vector<16xf32>
        %select_n3A_357 = arith.select %gt3A_356, %get3A_351, %scan3A_279 : vector<16xi1>, vector<16xf32>
        %select_n3A_358 = arith.select %gt3A_356, %broadcast_in_dim3A_312, %scan3A_287 : vector<16xi1>, vector<16xi32>
        %get3A_359 = arith.index_cast %add3A_310 : i32 to index
        %get3A_360 = arith.constant 80 : index
        %get3A_361 = tpu.vector_load %arg7[%get3A_359, %get3A_360] {strides = array<i32>} : memref<80x128xf32, #tpu.memory_space<vmem>>, vector<16xf32>,
        %exp3A_362 = math.exp %get3A_361 : vector<16xf32>
        %add3A_363 = arith.addf %scan3A_296, %exp3A_362 : vector<16xf32>
        %mul3A_364 = arith.mulf %get3A_361, %exp3A_362 : vector<16xf32>
        %add3A_365 = arith.addf %scan3A_304, %mul3A_364 : vector<16xf32>
        %gt3A_366 = arith.cmpf ogt, %get3A_361, %scan3A_280 : vector<16xf32>
        %select_n3A_367 = arith.select %gt3A_366, %get3A_361, %scan3A_280 : vector<16xi1>, vector<16xf32>
        %select_n3A_368 = arith.select %gt3A_366, %broadcast_in_dim3A_312, %scan3A_288 : vector<16xi1>, vector<16xi32>
        %get3A_369 = arith.index_cast %add3A_310 : i32 to index
        %get3A_370 = arith.constant 96 : index
        %get3A_371 = tpu.vector_load %arg7[%get3A_369, %get3A_370] {strides = array<i32>} : memref<80x128xf32, #tpu.memory_space<vmem>>, vector<16xf32>,
        %exp3A_372 = math.exp %get3A_371 : vector<16xf32>
        %add3A_373 = arith.addf %scan3A_297, %exp3A_372 : vector<16xf32>
        %mul3A_374 = arith.mulf %get3A_371, %exp3A_372 : vector<16xf32>
        %add3A_375 = arith.addf %scan3A_305, %mul3A_374 : vector<16xf32>
        %gt3A_376 = arith.cmpf ogt, %get3A_371, %scan3A_281 : vector<16xf32>
        %select_n3A_377 = arith.select %gt3A_376, %get3A_371, %scan3A_281 : vector<16xi1>, vector<16xf32>
        %select_n3A_378 = arith.select %gt3A_376, %broadcast_in_dim3A_312, %scan3A_289 : vector<16xi1>, vector<16xi32>
        %get3A_379 = arith.index_cast %add3A_310 : i32 to index
        %get3A_380 = arith.constant 112 : index
        %get3A_381 = tpu.vector_load %arg7[%get3A_379, %get3A_380] {strides = array<i32>} : memref<80x128xf32, #tpu.memory_space<vmem>>, vector<16xf32>,
        %exp3A_382 = math.exp %get3A_381 : vector<16xf32>
        %add3A_383 = arith.addf %scan3A_298, %exp3A_382 : vector<16xf32>
        %mul3A_384 = arith.mulf %get3A_381, %exp3A_382 : vector<16xf32>
        %add3A_385 = arith.addf %scan3A_306, %mul3A_384 : vector<16xf32>
        %gt3A_386 = arith.cmpf ogt, %get3A_381, %scan3A_282 : vector<16xf32>
        %select_n3A_387 = arith.select %gt3A_386, %get3A_381, %scan3A_282 : vector<16xi1>, vector<16xf32>
        %select_n3A_388 = arith.select %gt3A_386, %broadcast_in_dim3A_312, %scan3A_290 : vector<16xi1>, vector<16xi32>
        %mul3A_389 = arith.constant 2 : i32
        %mul3A_390 = arith.muli %scan3A_274, %mul3A_389 : i32
        %add3A_391 = arith.constant 1 : i32
        %add3A_392 = arith.addi %mul3A_390, %add3A_391 : i32
        %add3A_393 = arith.addi %mul3A_226, %add3A_392 : i32
        %broadcast_in_dim3A_394 = vector.broadcast %add3A_393 : i32 to vector<16xi32>
        %get3A_395 = arith.index_cast %add3A_392 : i32 to index
        %get3A_396 = arith.constant 0 : index
        %get3A_397 = tpu.vector_load %arg7[%get3A_395, %get3A_396] {strides = array<i32>} : memref<80x128xf32, #tpu.memory_space<vmem>>, vector<16xf32>,
        %exp3A_398 = math.exp %get3A_397 : vector<16xf32>
        %add3A_399 = arith.addf %add3A_315, %exp3A_398 : vector<16xf32>
        %mul3A_400 = arith.mulf %get3A_397, %exp3A_398 : vector<16xf32>
        %add3A_401 = arith.addf %add3A_317, %mul3A_400 : vector<16xf32>
        %gt3A_402 = arith.cmpf ogt, %get3A_397, %select_n3A : vector<16xf32>
        %select_n3A_403 = arith.select %gt3A_402, %get3A_397, %select_n3A : vector<16xi1>, vector<16xf32>
        %select_n3A_404 = arith.select %gt3A_402, %broadcast_in_dim3A_394, %select_n3A_318 : vector<16xi1>, vector<16xi32>
        %get3A_405 = arith.index_cast %add3A_392 : i32 to index
        %get3A_406 = arith.constant 16 : index
        %get3A_407 = tpu.vector_load %arg7[%get3A_405, %get3A_406] {strides = array<i32>} : memref<80x128xf32, #tpu.memory_space<vmem>>, vector<16xf32>,
        %exp3A_408 = math.exp %get3A_407 : vector<16xf32>
        %add3A_409 = arith.addf %add3A_323, %exp3A_408 : vector<16xf32>
        %mul3A_410 = arith.mulf %get3A_407, %exp3A_408 : vector<16xf32>
        %add3A_411 = arith.addf %add3A_325, %mul3A_410 : vector<16xf32>
        %gt3A_412 = arith.cmpf ogt, %get3A_407, %select_n3A_327 : vector<16xf32>
        %select_n3A_413 = arith.select %gt3A_412, %get3A_407, %select_n3A_327 : vector<16xi1>, vector<16xf32>
        %select_n3A_414 = arith.select %gt3A_412, %broadcast_in_dim3A_394, %select_n3A_328 : vector<16xi1>, vector<16xi32>
        %get3A_415 = arith.index_cast %add3A_392 : i32 to index
        %get3A_416 = arith.constant 32 : index
        %get3A_417 = tpu.vector_load %arg7[%get3A_415, %get3A_416] {strides = array<i32>} : memref<80x128xf32, #tpu.memory_space<vmem>>, vector<16xf32>,
        %exp3A_418 = math.exp %get3A_417 : vector<16xf32>
        %add3A_419 = arith.addf %add3A_333, %exp3A_418 : vector<16xf32>
        %mul3A_420 = arith.mulf %get3A_417, %exp3A_418 : vector<16xf32>
        %add3A_421 = arith.addf %add3A_335, %mul3A_420 : vector<16xf32>
        %gt3A_422 = arith.cmpf ogt, %get3A_417, %select_n3A_337 : vector<16xf32>
        %select_n3A_423 = arith.select %gt3A_422, %get3A_417, %select_n3A_337 : vector<16xi1>, vector<16xf32>
        %select_n3A_424 = arith.select %gt3A_422, %broadcast_in_dim3A_394, %select_n3A_338 : vector<16xi1>, vector<16xi32>
        %get3A_425 = arith.index_cast %add3A_392 : i32 to index
        %get3A_426 = arith.constant 48 : index
        %get3A_427 = tpu.vector_load %arg7[%get3A_425, %get3A_426] {strides = array<i32>} : memref<80x128xf32, #tpu.memory_space<vmem>>, vector<16xf32>,
        %exp3A_428 = math.exp %get3A_427 : vector<16xf32>
        %add3A_429 = arith.addf %add3A_343, %exp3A_428 : vector<16xf32>
        %mul3A_430 = arith.mulf %get3A_427, %exp3A_428 : vector<16xf32>
        %add3A_431 = arith.addf %add3A_345, %mul3A_430 : vector<16xf32>
        %gt3A_432 = arith.cmpf ogt, %get3A_427, %select_n3A_347 : vector<16xf32>
        %select_n3A_433 = arith.select %gt3A_432, %get3A_427, %select_n3A_347 : vector<16xi1>, vector<16xf32>
        %select_n3A_434 = arith.select %gt3A_432, %broadcast_in_dim3A_394, %select_n3A_348 : vector<16xi1>, vector<16xi32>
        %get3A_435 = arith.index_cast %add3A_392 : i32 to index
        %get3A_436 = arith.constant 64 : index
        %get3A_437 = tpu.vector_load %arg7[%get3A_435, %get3A_436] {strides = array<i32>} : memref<80x128xf32, #tpu.memory_space<vmem>>, vector<16xf32>,
        %exp3A_438 = math.exp %get3A_437 : vector<16xf32>
        %add3A_439 = arith.addf %add3A_353, %exp3A_438 : vector<16xf32>
        %mul3A_440 = arith.mulf %get3A_437, %exp3A_438 : vector<16xf32>
        %add3A_441 = arith.addf %add3A_355, %mul3A_440 : vector<16xf32>
        %gt3A_442 = arith.cmpf ogt, %get3A_437, %select_n3A_357 : vector<16xf32>
        %select_n3A_443 = arith.select %gt3A_442, %get3A_437, %select_n3A_357 : vector<16xi1>, vector<16xf32>
        %select_n3A_444 = arith.select %gt3A_442, %broadcast_in_dim3A_394, %select_n3A_358 : vector<16xi1>, vector<16xi32>
        %get3A_445 = arith.index_cast %add3A_392 : i32 to index
        %get3A_446 = arith.constant 80 : index
        %get3A_447 = tpu.vector_load %arg7[%get3A_445, %get3A_446] {strides = array<i32>} : memref<80x128xf32, #tpu.memory_space<vmem>>, vector<16xf32>,
        %exp3A_448 = math.exp %get3A_447 : vector<16xf32>
        %add3A_449 = arith.addf %add3A_363, %exp3A_448 : vector<16xf32>
        %mul3A_450 = arith.mulf %get3A_447, %exp3A_448 : vector<16xf32>
        %add3A_451 = arith.addf %add3A_365, %mul3A_450 : vector<16xf32>
        %gt3A_452 = arith.cmpf ogt, %get3A_447, %select_n3A_367 : vector<16xf32>
        %select_n3A_453 = arith.select %gt3A_452, %get3A_447, %select_n3A_367 : vector<16xi1>, vector<16xf32>
        %select_n3A_454 = arith.select %gt3A_452, %broadcast_in_dim3A_394, %select_n3A_368 : vector<16xi1>, vector<16xi32>
        %get3A_455 = arith.index_cast %add3A_392 : i32 to index
        %get3A_456 = arith.constant 96 : index
        %get3A_457 = tpu.vector_load %arg7[%get3A_455, %get3A_456] {strides = array<i32>} : memref<80x128xf32, #tpu.memory_space<vmem>>, vector<16xf32>,
        %exp3A_458 = math.exp %get3A_457 : vector<16xf32>
        %add3A_459 = arith.addf %add3A_373, %exp3A_458 : vector<16xf32>
        %mul3A_460 = arith.mulf %get3A_457, %exp3A_458 : vector<16xf32>
        %add3A_461 = arith.addf %add3A_375, %mul3A_460 : vector<16xf32>
        %gt3A_462 = arith.cmpf ogt, %get3A_457, %select_n3A_377 : vector<16xf32>
        %select_n3A_463 = arith.select %gt3A_462, %get3A_457, %select_n3A_377 : vector<16xi1>, vector<16xf32>
        %select_n3A_464 = arith.select %gt3A_462, %broadcast_in_dim3A_394, %select_n3A_378 : vector<16xi1>, vector<16xi32>
        %get3A_465 = arith.index_cast %add3A_392 : i32 to index
        %get3A_466 = arith.constant 112 : index
        %get3A_467 = tpu.vector_load %arg7[%get3A_465, %get3A_466] {strides = array<i32>} : memref<80x128xf32, #tpu.memory_space<vmem>>, vector<16xf32>,
        %exp3A_468 = math.exp %get3A_467 : vector<16xf32>
        %add3A_469 = arith.addf %add3A_383, %exp3A_468 : vector<16xf32>
        %mul3A_470 = arith.mulf %get3A_467, %exp3A_468 : vector<16xf32>
        %add3A_471 = arith.addf %add3A_385, %mul3A_470 : vector<16xf32>
        %gt3A_472 = arith.cmpf ogt, %get3A_467, %select_n3A_387 : vector<16xf32>
        %select_n3A_473 = arith.select %gt3A_472, %get3A_467, %select_n3A_387 : vector<16xi1>, vector<16xf32>
        %select_n3A_474 = arith.select %gt3A_472, %broadcast_in_dim3A_394, %select_n3A_388 : vector<16xi1>, vector<16xi32>
        scf.yield %select_n3A_403, %select_n3A_413, %select_n3A_423, %select_n3A_433, %select_n3A_443, %select_n3A_453, %select_n3A_463, %select_n3A_473, %select_n3A_404, %select_n3A_414, %select_n3A_424, %select_n3A_434, %select_n3A_444, %select_n3A_454, %select_n3A_464, %select_n3A_474, %add3A_399, %add3A_409, %add3A_419, %add3A_429, %add3A_439, %add3A_449, %add3A_459, %add3A_469, %add3A_401, %add3A_411, %add3A_421, %add3A_431, %add3A_441, %add3A_451, %add3A_461, %add3A_471 : vector<16xf32>, vector<16xf32>, vector<16xf32>, vector<16xf32>, vector<16xf32>, vector<16xf32>, vector<16xf32>, vector<16xf32>, vector<16xi32>, vector<16xi32>, vector<16xi32>, vector<16xi32>, vector<16xi32>, vector<16xi32>, vector<16xi32>, vector<16xi32>, vector<16xf32>, vector<16xf32>, vector<16xf32>, vector<16xf32>, vector<16xf32>, vector<16xf32>, vector<16xf32>, vector<16xf32>, vector<16xf32>, vector<16xf32>, vector<16xf32>, vector<16xf32>, vector<16xf32>, vector<16xf32>, vector<16xf32>, vector<16xf32>
      }
      %scan3A_231 = arith.constant 40 : i32
      %add3A_232 = arith.constant 2 : i32
      %add3A_233 = arith.addi %mul3A_217, %add3A_232 : i32
      %sub3A_234 = arith.constant 1 : i32
      %sub3A_235 = arith.subi %add3A_10, %sub3A_234 : i32
      %min3A = arith.minsi %add3A_233, %sub3A_235 : i32
      %add3A_236 = arith.addi %add3A_7, %min3A : i32
      %mul3A_237 = arith.constant 80 : i32
      %mul3A_238 = arith.muli %add3A_236, %mul3A_237 : i32
      %multiple_of3A_239 = tpu.assume_multiple %mul3A_238, 8 : i32
      %dma_start3A_240 = arith.constant 0 : i32
      %dma_start3A_241 = tpu.memref_slice %arg2[%multiple_of3A_239, %dma_start3A_240] : memref<100000x128xf32, #tpu.memory_space<hbm>> -> memref<80x128xf32, #tpu.memory_space<hbm>>
      %dma_start3A_242 = arith.constant 0 : i32
      %dma_start3A_243 = tpu.memref_slice %arg2[%multiple_of3A_239, %dma_start3A_242] : memref<100000x128xf32, #tpu.memory_space<hbm>> -> memref<80x128xf32, #tpu.memory_space<hbm>>
      tpu.enqueue_dma source(%dma_start3A_243 : memref<80x128xf32, #tpu.memory_space<hbm>>) target(%arg7 : memref<80x128xf32, #tpu.memory_space<vmem>>) target_semaphore(%arg13 : memref<!tpu.dma_semaphore, #tpu.memory_space<semaphore_mem>>)
      %dma_wait3A_244 = arith.constant 0 : i32
      %dma_wait3A_245 = arith.constant 0 : i32
      %dma_wait3A_246 = tpu.memref_slice %arg2[%dma_wait3A_244, %dma_wait3A_245] : memref<100000x128xf32, #tpu.memory_space<hbm>> -> memref<80x128xf32, #tpu.memory_space<hbm>>
      %dma_wait3A_247 = arith.constant 0 : i32
      %dma_wait3A_248 = arith.constant 0 : i32
      %dma_wait3A_249 = tpu.memref_slice %arg2[%dma_wait3A_247, %dma_wait3A_248] : memref<100000x128xf32, #tpu.memory_space<hbm>> -> memref<80x128xf32, #tpu.memory_space<hbm>>
      tpu.wait_dma2 semaphore(%arg14 : memref<!tpu.dma_semaphore, #tpu.memory_space<semaphore_mem>>) src(%dma_wait3A_249 : memref<80x128xf32, #tpu.memory_space<hbm>>) dst(%arg8 : memref<80x128xf32, #tpu.memory_space<vmem>>)
      %add3A_250 = arith.constant 1 : i32
      %add3A_251 = arith.addi %mul3A_217, %add3A_250 : i32
      %add3A_252 = arith.addi %add3A_7, %add3A_251 : i32
      %mul3A_253 = arith.constant 80 : i32
      %mul3A_254 = arith.muli %add3A_252, %mul3A_253 : i32
      %scan3A_255 = arith.constant 0 : i32
      %scan3A_256 = arith.constant 40 : i32
      %scan3A_257 = arith.addi %scan3A_255, %scan3A_256 : i32
      %scan3A_258 = arith.constant 1 : i32
      %scan3A_259:32 = scf.for %scan3A_274 = %scan3A_255 to %scan3A_257 step %scan3A_258 iter_args(%scan3A_275 = %scan3A_230#0, %scan3A_276 = %scan3A_230#1, %scan3A_277 = %scan3A_230#2, %scan3A_278 = %scan3A_230#3, %scan3A_279 = %scan3A_230#4, %scan3A_280 = %scan3A_230#5, %scan3A_281 = %scan3A_230#6, %scan3A_282 = %scan3A_230#7, %scan3A_283 = %scan3A_230#8, %scan3A_284 = %scan3A_230#9, %scan3A_285 = %scan3A_230#10, %scan3A_286 = %scan3A_230#11, %scan3A_287 = %scan3A_230#12, %scan3A_288 = %scan3A_230#13, %scan3A_289 = %scan3A_230#14, %scan3A_290 = %scan3A_230#15, %scan3A_291 = %scan3A_230#16, %scan3A_292 = %scan3A_230#17, %scan3A_293 = %scan3A_230#18, %scan3A_294 = %scan3A_230#19, %scan3A_295 = %scan3A_230#20, %scan3A_296 = %scan3A_230#21, %scan3A_297 = %scan3A_230#22, %scan3A_298 = %scan3A_230#23, %scan3A_299 = %scan3A_230#24, %scan3A_300 = %scan3A_230#25, %scan3A_301 = %scan3A_230#26, %scan3A_302 = %scan3A_230#27, %scan3A_303 = %scan3A_230#28, %scan3A_304 = %scan3A_230#29, %scan3A_305 = %scan3A_230#30, %scan3A_306 = %scan3A_230#31) -> (vector<16xf32>, vector<16xf32>, vector<16xf32>, vector<16xf32>, vector<16xf32>, vector<16xf32>, vector<16xf32>, vector<16xf32>, vector<16xi32>, vector<16xi32>, vector<16xi32>, vector<16xi32>, vector<16xi32>, vector<16xi32>, vector<16xi32>, vector<16xi32>, vector<16xf32>, vector<16xf32>, vector<16xf32>, vector<16xf32>, vector<16xf32>, vector<16xf32>, vector<16xf32>, vector<16xf32>, vector<16xf32>, vector<16xf32>, vector<16xf32>, vector<16xf32>, vector<16xf32>, vector<16xf32>, vector<16xf32>, vector<16xf32>)  : i32 {
        %mul3A_307 = arith.constant 2 : i32
        %mul3A_308 = arith.muli %scan3A_274, %mul3A_307 : i32
        %add3A_309 = arith.constant 0 : i32
        %add3A_310 = arith.addi %mul3A_308, %add3A_309 : i32
        %add3A_311 = arith.addi %mul3A_254, %add3A_310 : i32
        %broadcast_in_dim3A_312 = vector.broadcast %add3A_311 : i32 to vector<16xi32>
        %get3A = arith.index_cast %add3A_310 : i32 to index
        %get3A_313 = arith.constant 0 : index
        %get3A_314 = tpu.vector_load %arg8[%get3A, %get3A_313] {strides = array<i32>} : memref<80x128xf32, #tpu.memory_space<vmem>>, vector<16xf32>,
        %exp3A = math.exp %get3A_314 : vector<16xf32>
        %add3A_315 = arith.addf %scan3A_291, %exp3A : vector<16xf32>
        %mul3A_316 = arith.mulf %get3A_314, %exp3A : vector<16xf32>
        %add3A_317 = arith.addf %scan3A_299, %mul3A_316 : vector<16xf32>
        %gt3A = arith.cmpf ogt, %get3A_314, %scan3A_275 : vector<16xf32>
        %select_n3A = arith.select %gt3A, %get3A_314, %scan3A_275 : vector<16xi1>, vector<16xf32>
        %select_n3A_318 = arith.select %gt3A, %broadcast_in_dim3A_312, %scan3A_283 : vector<16xi1>, vector<16xi32>
        %get3A_319 = arith.index_cast %add3A_310 : i32 to index
        %get3A_320 = arith.constant 16 : index
        %get3A_321 = tpu.vector_load %arg8[%get3A_319, %get3A_320] {strides = array<i32>} : memref<80x128xf32, #tpu.memory_space<vmem>>, vector<16xf32>,
        %exp3A_322 = math.exp %get3A_321 : vector<16xf32>
        %add3A_323 = arith.addf %scan3A_292, %exp3A_322 : vector<16xf32>
        %mul3A_324 = arith.mulf %get3A_321, %exp3A_322 : vector<16xf32>
        %add3A_325 = arith.addf %scan3A_300, %mul3A_324 : vector<16xf32>
        %gt3A_326 = arith.cmpf ogt, %get3A_321, %scan3A_276 : vector<16xf32>
        %select_n3A_327 = arith.select %gt3A_326, %get3A_321, %scan3A_276 : vector<16xi1>, vector<16xf32>
        %select_n3A_328 = arith.select %gt3A_326, %broadcast_in_dim3A_312, %scan3A_284 : vector<16xi1>, vector<16xi32>
        %get3A_329 = arith.index_cast %add3A_310 : i32 to index
        %get3A_330 = arith.constant 32 : index
        %get3A_331 = tpu.vector_load %arg8[%get3A_329, %get3A_330] {strides = array<i32>} : memref<80x128xf32, #tpu.memory_space<vmem>>, vector<16xf32>,
        %exp3A_332 = math.exp %get3A_331 : vector<16xf32>
        %add3A_333 = arith.addf %scan3A_293, %exp3A_332 : vector<16xf32>
        %mul3A_334 = arith.mulf %get3A_331, %exp3A_332 : vector<16xf32>
        %add3A_335 = arith.addf %scan3A_301, %mul3A_334 : vector<16xf32>
        %gt3A_336 = arith.cmpf ogt, %get3A_331, %scan3A_277 : vector<16xf32>
        %select_n3A_337 = arith.select %gt3A_336, %get3A_331, %scan3A_277 : vector<16xi1>, vector<16xf32>
        %select_n3A_338 = arith.select %gt3A_336, %broadcast_in_dim3A_312, %scan3A_285 : vector<16xi1>, vector<16xi32>
        %get3A_339 = arith.index_cast %add3A_310 : i32 to index
        %get3A_340 = arith.constant 48 : index
        %get3A_341 = tpu.vector_load %arg8[%get3A_339, %get3A_340] {strides = array<i32>} : memref<80x128xf32, #tpu.memory_space<vmem>>, vector<16xf32>,
        %exp3A_342 = math.exp %get3A_341 : vector<16xf32>
        %add3A_343 = arith.addf %scan3A_294, %exp3A_342 : vector<16xf32>
        %mul3A_344 = arith.mulf %get3A_341, %exp3A_342 : vector<16xf32>
        %add3A_345 = arith.addf %scan3A_302, %mul3A_344 : vector<16xf32>
        %gt3A_346 = arith.cmpf ogt, %get3A_341, %scan3A_278 : vector<16xf32>
        %select_n3A_347 = arith.select %gt3A_346, %get3A_341, %scan3A_278 : vector<16xi1>, vector<16xf32>
        %select_n3A_348 = arith.select %gt3A_346, %broadcast_in_dim3A_312, %scan3A_286 : vector<16xi1>, vector<16xi32>
        %get3A_349 = arith.index_cast %add3A_310 : i32 to index
        %get3A_350 = arith.constant 64 : index
        %get3A_351 = tpu.vector_load %arg8[%get3A_349, %get3A_350] {strides = array<i32>} : memref<80x128xf32, #tpu.memory_space<vmem>>, vector<16xf32>,
        %exp3A_352 = math.exp %get3A_351 : vector<16xf32>
        %add3A_353 = arith.addf %scan3A_295, %exp3A_352 : vector<16xf32>
        %mul3A_354 = arith.mulf %get3A_351, %exp3A_352 : vector<16xf32>
        %add3A_355 = arith.addf %scan3A_303, %mul3A_354 : vector<16xf32>
        %gt3A_356 = arith.cmpf ogt, %get3A_351, %scan3A_279 : vector<16xf32>
        %select_n3A_357 = arith.select %gt3A_356, %get3A_351, %scan3A_279 : vector<16xi1>, vector<16xf32>
        %select_n3A_358 = arith.select %gt3A_356, %broadcast_in_dim3A_312, %scan3A_287 : vector<16xi1>, vector<16xi32>
        %get3A_359 = arith.index_cast %add3A_310 : i32 to index
        %get3A_360 = arith.constant 80 : index
        %get3A_361 = tpu.vector_load %arg8[%get3A_359, %get3A_360] {strides = array<i32>} : memref<80x128xf32, #tpu.memory_space<vmem>>, vector<16xf32>,
        %exp3A_362 = math.exp %get3A_361 : vector<16xf32>
        %add3A_363 = arith.addf %scan3A_296, %exp3A_362 : vector<16xf32>
        %mul3A_364 = arith.mulf %get3A_361, %exp3A_362 : vector<16xf32>
        %add3A_365 = arith.addf %scan3A_304, %mul3A_364 : vector<16xf32>
        %gt3A_366 = arith.cmpf ogt, %get3A_361, %scan3A_280 : vector<16xf32>
        %select_n3A_367 = arith.select %gt3A_366, %get3A_361, %scan3A_280 : vector<16xi1>, vector<16xf32>
        %select_n3A_368 = arith.select %gt3A_366, %broadcast_in_dim3A_312, %scan3A_288 : vector<16xi1>, vector<16xi32>
        %get3A_369 = arith.index_cast %add3A_310 : i32 to index
        %get3A_370 = arith.constant 96 : index
        %get3A_371 = tpu.vector_load %arg8[%get3A_369, %get3A_370] {strides = array<i32>} : memref<80x128xf32, #tpu.memory_space<vmem>>, vector<16xf32>,
        %exp3A_372 = math.exp %get3A_371 : vector<16xf32>
        %add3A_373 = arith.addf %scan3A_297, %exp3A_372 : vector<16xf32>
        %mul3A_374 = arith.mulf %get3A_371, %exp3A_372 : vector<16xf32>
        %add3A_375 = arith.addf %scan3A_305, %mul3A_374 : vector<16xf32>
        %gt3A_376 = arith.cmpf ogt, %get3A_371, %scan3A_281 : vector<16xf32>
        %select_n3A_377 = arith.select %gt3A_376, %get3A_371, %scan3A_281 : vector<16xi1>, vector<16xf32>
        %select_n3A_378 = arith.select %gt3A_376, %broadcast_in_dim3A_312, %scan3A_289 : vector<16xi1>, vector<16xi32>
        %get3A_379 = arith.index_cast %add3A_310 : i32 to index
        %get3A_380 = arith.constant 112 : index
        %get3A_381 = tpu.vector_load %arg8[%get3A_379, %get3A_380] {strides = array<i32>} : memref<80x128xf32, #tpu.memory_space<vmem>>, vector<16xf32>,
        %exp3A_382 = math.exp %get3A_381 : vector<16xf32>
        %add3A_383 = arith.addf %scan3A_298, %exp3A_382 : vector<16xf32>
        %mul3A_384 = arith.mulf %get3A_381, %exp3A_382 : vector<16xf32>
        %add3A_385 = arith.addf %scan3A_306, %mul3A_384 : vector<16xf32>
        %gt3A_386 = arith.cmpf ogt, %get3A_381, %scan3A_282 : vector<16xf32>
        %select_n3A_387 = arith.select %gt3A_386, %get3A_381, %scan3A_282 : vector<16xi1>, vector<16xf32>
        %select_n3A_388 = arith.select %gt3A_386, %broadcast_in_dim3A_312, %scan3A_290 : vector<16xi1>, vector<16xi32>
        %mul3A_389 = arith.constant 2 : i32
        %mul3A_390 = arith.muli %scan3A_274, %mul3A_389 : i32
        %add3A_391 = arith.constant 1 : i32
        %add3A_392 = arith.addi %mul3A_390, %add3A_391 : i32
        %add3A_393 = arith.addi %mul3A_254, %add3A_392 : i32
        %broadcast_in_dim3A_394 = vector.broadcast %add3A_393 : i32 to vector<16xi32>
        %get3A_395 = arith.index_cast %add3A_392 : i32 to index
        %get3A_396 = arith.constant 0 : index
        %get3A_397 = tpu.vector_load %arg8[%get3A_395, %get3A_396] {strides = array<i32>} : memref<80x128xf32, #tpu.memory_space<vmem>>, vector<16xf32>,
        %exp3A_398 = math.exp %get3A_397 : vector<16xf32>
        %add3A_399 = arith.addf %add3A_315, %exp3A_398 : vector<16xf32>
        %mul3A_400 = arith.mulf %get3A_397, %exp3A_398 : vector<16xf32>
        %add3A_401 = arith.addf %add3A_317, %mul3A_400 : vector<16xf32>
        %gt3A_402 = arith.cmpf ogt, %get3A_397, %select_n3A : vector<16xf32>
        %select_n3A_403 = arith.select %gt3A_402, %get3A_397, %select_n3A : vector<16xi1>, vector<16xf32>
        %select_n3A_404 = arith.select %gt3A_402, %broadcast_in_dim3A_394, %select_n3A_318 : vector<16xi1>, vector<16xi32>
        %get3A_405 = arith.index_cast %add3A_392 : i32 to index
        %get3A_406 = arith.constant 16 : index
        %get3A_407 = tpu.vector_load %arg8[%get3A_405, %get3A_406] {strides = array<i32>} : memref<80x128xf32, #tpu.memory_space<vmem>>, vector<16xf32>,
        %exp3A_408 = math.exp %get3A_407 : vector<16xf32>
        %add3A_409 = arith.addf %add3A_323, %exp3A_408 : vector<16xf32>
        %mul3A_410 = arith.mulf %get3A_407, %exp3A_408 : vector<16xf32>
        %add3A_411 = arith.addf %add3A_325, %mul3A_410 : vector<16xf32>
        %gt3A_412 = arith.cmpf ogt, %get3A_407, %select_n3A_327 : vector<16xf32>
        %select_n3A_413 = arith.select %gt3A_412, %get3A_407, %select_n3A_327 : vector<16xi1>, vector<16xf32>
        %select_n3A_414 = arith.select %gt3A_412, %broadcast_in_dim3A_394, %select_n3A_328 : vector<16xi1>, vector<16xi32>
        %get3A_415 = arith.index_cast %add3A_392 : i32 to index
        %get3A_416 = arith.constant 32 : index
        %get3A_417 = tpu.vector_load %arg8[%get3A_415, %get3A_416] {strides = array<i32>} : memref<80x128xf32, #tpu.memory_space<vmem>>, vector<16xf32>,
        %exp3A_418 = math.exp %get3A_417 : vector<16xf32>
        %add3A_419 = arith.addf %add3A_333, %exp3A_418 : vector<16xf32>
        %mul3A_420 = arith.mulf %get3A_417, %exp3A_418 : vector<16xf32>
        %add3A_421 = arith.addf %add3A_335, %mul3A_420 : vector<16xf32>
        %gt3A_422 = arith.cmpf ogt, %get3A_417, %select_n3A_337 : vector<16xf32>
        %select_n3A_423 = arith.select %gt3A_422, %get3A_417, %select_n3A_337 : vector<16xi1>, vector<16xf32>
        %select_n3A_424 = arith.select %gt3A_422, %broadcast_in_dim3A_394, %select_n3A_338 : vector<16xi1>, vector<16xi32>
        %get3A_425 = arith.index_cast %add3A_392 : i32 to index
        %get3A_426 = arith.constant 48 : index
        %get3A_427 = tpu.vector_load %arg8[%get3A_425, %get3A_426] {strides = array<i32>} : memref<80x128xf32, #tpu.memory_space<vmem>>, vector<16xf32>,
        %exp3A_428 = math.exp %get3A_427 : vector<16xf32>
        %add3A_429 = arith.addf %add3A_343, %exp3A_428 : vector<16xf32>
        %mul3A_430 = arith.mulf %get3A_427, %exp3A_428 : vector<16xf32>
        %add3A_431 = arith.addf %add3A_345, %mul3A_430 : vector<16xf32>
        %gt3A_432 = arith.cmpf ogt, %get3A_427, %select_n3A_347 : vector<16xf32>
        %select_n3A_433 = arith.select %gt3A_432, %get3A_427, %select_n3A_347 : vector<16xi1>, vector<16xf32>
        %select_n3A_434 = arith.select %gt3A_432, %broadcast_in_dim3A_394, %select_n3A_348 : vector<16xi1>, vector<16xi32>
        %get3A_435 = arith.index_cast %add3A_392 : i32 to index
        %get3A_436 = arith.constant 64 : index
        %get3A_437 = tpu.vector_load %arg8[%get3A_435, %get3A_436] {strides = array<i32>} : memref<80x128xf32, #tpu.memory_space<vmem>>, vector<16xf32>,
        %exp3A_438 = math.exp %get3A_437 : vector<16xf32>
        %add3A_439 = arith.addf %add3A_353, %exp3A_438 : vector<16xf32>
        %mul3A_440 = arith.mulf %get3A_437, %exp3A_438 : vector<16xf32>
        %add3A_441 = arith.addf %add3A_355, %mul3A_440 : vector<16xf32>
        %gt3A_442 = arith.cmpf ogt, %get3A_437, %select_n3A_357 : vector<16xf32>
        %select_n3A_443 = arith.select %gt3A_442, %get3A_437, %select_n3A_357 : vector<16xi1>, vector<16xf32>
        %select_n3A_444 = arith.select %gt3A_442, %broadcast_in_dim3A_394, %select_n3A_358 : vector<16xi1>, vector<16xi32>
        %get3A_445 = arith.index_cast %add3A_392 : i32 to index
        %get3A_446 = arith.constant 80 : index
        %get3A_447 = tpu.vector_load %arg8[%get3A_445, %get3A_446] {strides = array<i32>} : memref<80x128xf32, #tpu.memory_space<vmem>>, vector<16xf32>,
        %exp3A_448 = math.exp %get3A_447 : vector<16xf32>
        %add3A_449 = arith.addf %add3A_363, %exp3A_448 : vector<16xf32>
        %mul3A_450 = arith.mulf %get3A_447, %exp3A_448 : vector<16xf32>
        %add3A_451 = arith.addf %add3A_365, %mul3A_450 : vector<16xf32>
        %gt3A_452 = arith.cmpf ogt, %get3A_447, %select_n3A_367 : vector<16xf32>
        %select_n3A_453 = arith.select %gt3A_452, %get3A_447, %select_n3A_367 : vector<16xi1>, vector<16xf32>
        %select_n3A_454 = arith.select %gt3A_452, %broadcast_in_dim3A_394, %select_n3A_368 : vector<16xi1>, vector<16xi32>
        %get3A_455 = arith.index_cast %add3A_392 : i32 to index
        %get3A_456 = arith.constant 96 : index
        %get3A_457 = tpu.vector_load %arg8[%get3A_455, %get3A_456] {strides = array<i32>} : memref<80x128xf32, #tpu.memory_space<vmem>>, vector<16xf32>,
        %exp3A_458 = math.exp %get3A_457 : vector<16xf32>
        %add3A_459 = arith.addf %add3A_373, %exp3A_458 : vector<16xf32>
        %mul3A_460 = arith.mulf %get3A_457, %exp3A_458 : vector<16xf32>
        %add3A_461 = arith.addf %add3A_375, %mul3A_460 : vector<16xf32>
        %gt3A_462 = arith.cmpf ogt, %get3A_457, %select_n3A_377 : vector<16xf32>
        %select_n3A_463 = arith.select %gt3A_462, %get3A_457, %select_n3A_377 : vector<16xi1>, vector<16xf32>
        %select_n3A_464 = arith.select %gt3A_462, %broadcast_in_dim3A_394, %select_n3A_378 : vector<16xi1>, vector<16xi32>
        %get3A_465 = arith.index_cast %add3A_392 : i32 to index
        %get3A_466 = arith.constant 112 : index
        %get3A_467 = tpu.vector_load %arg8[%get3A_465, %get3A_466] {strides = array<i32>} : memref<80x128xf32, #tpu.memory_space<vmem>>, vector<16xf32>,
        %exp3A_468 = math.exp %get3A_467 : vector<16xf32>
        %add3A_469 = arith.addf %add3A_383, %exp3A_468 : vector<16xf32>
        %mul3A_470 = arith.mulf %get3A_467, %exp3A_468 : vector<16xf32>
        %add3A_471 = arith.addf %add3A_385, %mul3A_470 : vector<16xf32>
        %gt3A_472 = arith.cmpf ogt, %get3A_467, %select_n3A_387 : vector<16xf32>
        %select_n3A_473 = arith.select %gt3A_472, %get3A_467, %select_n3A_387 : vector<16xi1>, vector<16xf32>
        %select_n3A_474 = arith.select %gt3A_472, %broadcast_in_dim3A_394, %select_n3A_388 : vector<16xi1>, vector<16xi32>
        scf.yield %select_n3A_403, %select_n3A_413, %select_n3A_423, %select_n3A_433, %select_n3A_443, %select_n3A_453, %select_n3A_463, %select_n3A_473, %select_n3A_404, %select_n3A_414, %select_n3A_424, %select_n3A_434, %select_n3A_444, %select_n3A_454, %select_n3A_464, %select_n3A_474, %add3A_399, %add3A_409, %add3A_419, %add3A_429, %add3A_439, %add3A_449, %add3A_459, %add3A_469, %add3A_401, %add3A_411, %add3A_421, %add3A_431, %add3A_441, %add3A_451, %add3A_461, %add3A_471 : vector<16xf32>, vector<16xf32>, vector<16xf32>, vector<16xf32>, vector<16xf32>, vector<16xf32>, vector<16xf32>, vector<16xf32>, vector<16xi32>, vector<16xi32>, vector<16xi32>, vector<16xi32>, vector<16xi32>, vector<16xi32>, vector<16xi32>, vector<16xi32>, vector<16xf32>, vector<16xf32>, vector<16xf32>, vector<16xf32>, vector<16xf32>, vector<16xf32>, vector<16xf32>, vector<16xf32>, vector<16xf32>, vector<16xf32>, vector<16xf32>, vector<16xf32>, vector<16xf32>, vector<16xf32>, vector<16xf32>, vector<16xf32>
      }
      %scan3A_260 = arith.constant 40 : i32
      %add3A_261 = arith.constant 3 : i32
      %add3A_262 = arith.addi %mul3A_217, %add3A_261 : i32
      %sub3A_263 = arith.constant 1 : i32
      %sub3A_264 = arith.subi %add3A_10, %sub3A_263 : i32
      %min3A_265 = arith.minsi %add3A_262, %sub3A_264 : i32
      %add3A_266 = arith.addi %add3A_7, %min3A_265 : i32
      %mul3A_267 = arith.constant 80 : i32
      %mul3A_268 = arith.muli %add3A_266, %mul3A_267 : i32
      %multiple_of3A_269 = tpu.assume_multiple %mul3A_268, 8 : i32
      %dma_start3A_270 = arith.constant 0 : i32
      %dma_start3A_271 = tpu.memref_slice %arg2[%multiple_of3A_269, %dma_start3A_270] : memref<100000x128xf32, #tpu.memory_space<hbm>> -> memref<80x128xf32, #tpu.memory_space<hbm>>
      %dma_start3A_272 = arith.constant 0 : i32
      %dma_start3A_273 = tpu.memref_slice %arg2[%multiple_of3A_269, %dma_start3A_272] : memref<100000x128xf32, #tpu.memory_space<hbm>> -> memref<80x128xf32, #tpu.memory_space<hbm>>
      tpu.enqueue_dma source(%dma_start3A_273 : memref<80x128xf32, #tpu.memory_space<hbm>>) target(%arg8 : memref<80x128xf32, #tpu.memory_space<vmem>>) target_semaphore(%arg14 : memref<!tpu.dma_semaphore, #tpu.memory_space<semaphore_mem>>)
      scf.yield %scan3A_259#0, %scan3A_259#1, %scan3A_259#2, %scan3A_259#3, %scan3A_259#4, %scan3A_259#5, %scan3A_259#6, %scan3A_259#7, %scan3A_259#8, %scan3A_259#9, %scan3A_259#10, %scan3A_259#11, %scan3A_259#12, %scan3A_259#13, %scan3A_259#14, %scan3A_259#15, %scan3A_259#16, %scan3A_259#17, %scan3A_259#18, %scan3A_259#19, %scan3A_259#20, %scan3A_259#21, %scan3A_259#22, %scan3A_259#23, %scan3A_259#24, %scan3A_259#25, %scan3A_259#26, %scan3A_259#27, %scan3A_259#28, %scan3A_259#29, %scan3A_259#30, %scan3A_259#31 : vector<16xf32>, vector<16xf32>, vector<16xf32>, vector<16xf32>, vector<16xf32>, vector<16xf32>, vector<16xf32>, vector<16xf32>, vector<16xi32>, vector<16xi32>, vector<16xi32>, vector<16xi32>, vector<16xi32>, vector<16xi32>, vector<16xi32>, vector<16xi32>, vector<16xf32>, vector<16xf32>, vector<16xf32>, vector<16xf32>, vector<16xf32>, vector<16xf32>, vector<16xf32>, vector<16xf32>, vector<16xf32>, vector<16xf32>, vector<16xf32>, vector<16xf32>, vector<16xf32>, vector<16xf32>, vector<16xf32>, vector<16xf32>
    }
    %while3A_99 = arith.constant 1 : i32
    %while3A_100:32 = scf.for %while3A_183 = %while3A_96 to %while3A_92 step %while3A_99 iter_args(%while3A_184 = %while3A_98#0, %while3A_185 = %while3A_98#1, %while3A_186 = %while3A_98#2, %while3A_187 = %while3A_98#3, %while3A_188 = %while3A_98#4, %while3A_189 = %while3A_98#5, %while3A_190 = %while3A_98#6, %while3A_191 = %while3A_98#7, %while3A_192 = %while3A_98#8, %while3A_193 = %while3A_98#9, %while3A_194 = %while3A_98#10, %while3A_195 = %while3A_98#11, %while3A_196 = %while3A_98#12, %while3A_197 = %while3A_98#13, %while3A_198 = %while3A_98#14, %while3A_199 = %while3A_98#15, %while3A_200 = %while3A_98#16, %while3A_201 = %while3A_98#17, %while3A_202 = %while3A_98#18, %while3A_203 = %while3A_98#19, %while3A_204 = %while3A_98#20, %while3A_205 = %while3A_98#21, %while3A_206 = %while3A_98#22, %while3A_207 = %while3A_98#23, %while3A_208 = %while3A_98#24, %while3A_209 = %while3A_98#25, %while3A_210 = %while3A_98#26, %while3A_211 = %while3A_98#27, %while3A_212 = %while3A_98#28, %while3A_213 = %while3A_98#29, %while3A_214 = %while3A_98#30, %while3A_215 = %while3A_98#31) -> (vector<16xf32>, vector<16xf32>, vector<16xf32>, vector<16xf32>, vector<16xf32>, vector<16xf32>, vector<16xf32>, vector<16xf32>, vector<16xi32>, vector<16xi32>, vector<16xi32>, vector<16xi32>, vector<16xi32>, vector<16xi32>, vector<16xi32>, vector<16xi32>, vector<16xf32>, vector<16xf32>, vector<16xf32>, vector<16xf32>, vector<16xf32>, vector<16xf32>, vector<16xf32>, vector<16xf32>, vector<16xf32>, vector<16xf32>, vector<16xf32>, vector<16xf32>, vector<16xf32>, vector<16xf32>, vector<16xf32>, vector<16xf32>)  : i32 {
      %mul3A_216 = arith.constant 2 : i32
      %mul3A_217 = arith.muli %while3A_183, %mul3A_216 : i32
      %dma_wait3A_218 = arith.constant 0 : i32
      %dma_wait3A_219 = arith.constant 0 : i32
      %dma_wait3A_220 = tpu.memref_slice %arg2[%dma_wait3A_218, %dma_wait3A_219] : memref<100000x128xf32, #tpu.memory_space<hbm>> -> memref<80x128xf32, #tpu.memory_space<hbm>>
      %dma_wait3A_221 = arith.constant 0 : i32
      %dma_wait3A_222 = arith.constant 0 : i32
      %dma_wait3A_223 = tpu.memref_slice %arg2[%dma_wait3A_221, %dma_wait3A_222] : memref<100000x128xf32, #tpu.memory_space<hbm>> -> memref<80x128xf32, #tpu.memory_space<hbm>>
      tpu.wait_dma2 semaphore(%arg13 : memref<!tpu.dma_semaphore, #tpu.memory_space<semaphore_mem>>) src(%dma_wait3A_223 : memref<80x128xf32, #tpu.memory_space<hbm>>) dst(%arg7 : memref<80x128xf32, #tpu.memory_space<vmem>>)
      %add3A_224 = arith.addi %add3A_7, %mul3A_217 : i32
      %mul3A_225 = arith.constant 80 : i32
      %mul3A_226 = arith.muli %add3A_224, %mul3A_225 : i32
      %scan3A = arith.constant 0 : i32
      %scan3A_227 = arith.constant 40 : i32
      %scan3A_228 = arith.addi %scan3A, %scan3A_227 : i32
      %scan3A_229 = arith.constant 1 : i32
      %scan3A_230:32 = scf.for %scan3A_274 = %scan3A to %scan3A_228 step %scan3A_229 iter_args(%scan3A_275 = %while3A_184, %scan3A_276 = %while3A_185, %scan3A_277 = %while3A_186, %scan3A_278 = %while3A_187, %scan3A_279 = %while3A_188, %scan3A_280 = %while3A_189, %scan3A_281 = %while3A_190, %scan3A_282 = %while3A_191, %scan3A_283 = %while3A_192, %scan3A_284 = %while3A_193, %scan3A_285 = %while3A_194, %scan3A_286 = %while3A_195, %scan3A_287 = %while3A_196, %scan3A_288 = %while3A_197, %scan3A_289 = %while3A_198, %scan3A_290 = %while3A_199, %scan3A_291 = %while3A_200, %scan3A_292 = %while3A_201, %scan3A_293 = %while3A_202, %scan3A_294 = %while3A_203, %scan3A_295 = %while3A_204, %scan3A_296 = %while3A_205, %scan3A_297 = %while3A_206, %scan3A_298 = %while3A_207, %scan3A_299 = %while3A_208, %scan3A_300 = %while3A_209, %scan3A_301 = %while3A_210, %scan3A_302 = %while3A_211, %scan3A_303 = %while3A_212, %scan3A_304 = %while3A_213, %scan3A_305 = %while3A_214, %scan3A_306 = %while3A_215) -> (vector<16xf32>, vector<16xf32>, vector<16xf32>, vector<16xf32>, vector<16xf32>, vector<16xf32>, vector<16xf32>, vector<16xf32>, vector<16xi32>, vector<16xi32>, vector<16xi32>, vector<16xi32>, vector<16xi32>, vector<16xi32>, vector<16xi32>, vector<16xi32>, vector<16xf32>, vector<16xf32>, vector<16xf32>, vector<16xf32>, vector<16xf32>, vector<16xf32>, vector<16xf32>, vector<16xf32>, vector<16xf32>, vector<16xf32>, vector<16xf32>, vector<16xf32>, vector<16xf32>, vector<16xf32>, vector<16xf32>, vector<16xf32>)  : i32 {
        %mul3A_307 = arith.constant 2 : i32
        %mul3A_308 = arith.muli %scan3A_274, %mul3A_307 : i32
        %add3A_309 = arith.constant 0 : i32
        %add3A_310 = arith.addi %mul3A_308, %add3A_309 : i32
        %add3A_311 = arith.addi %mul3A_226, %add3A_310 : i32
        %broadcast_in_dim3A_312 = vector.broadcast %add3A_311 : i32 to vector<16xi32>
        %get3A = arith.index_cast %add3A_310 : i32 to index
        %get3A_313 = arith.constant 0 : index
        %get3A_314 = tpu.vector_load %arg7[%get3A, %get3A_313] {strides = array<i32>} : memref<80x128xf32, #tpu.memory_space<vmem>>, vector<16xf32>,
        %exp3A = math.exp %get3A_314 : vector<16xf32>
        %add3A_315 = arith.addf %scan3A_291, %exp3A : vector<16xf32>
        %mul3A_316 = arith.mulf %get3A_314, %exp3A : vector<16xf32>
        %add3A_317 = arith.addf %scan3A_299, %mul3A_316 : vector<16xf32>
        %gt3A = arith.cmpf ogt, %get3A_314, %scan3A_275 : vector<16xf32>
        %select_n3A = arith.select %gt3A, %get3A_314, %scan3A_275 : vector<16xi1>, vector<16xf32>
        %select_n3A_318 = arith.select %gt3A, %broadcast_in_dim3A_312, %scan3A_283 : vector<16xi1>, vector<16xi32>
        %get3A_319 = arith.index_cast %add3A_310 : i32 to index
        %get3A_320 = arith.constant 16 : index
        %get3A_321 = tpu.vector_load %arg7[%get3A_319, %get3A_320] {strides = array<i32>} : memref<80x128xf32, #tpu.memory_space<vmem>>, vector<16xf32>,
        %exp3A_322 = math.exp %get3A_321 : vector<16xf32>
        %add3A_323 = arith.addf %scan3A_292, %exp3A_322 : vector<16xf32>
        %mul3A_324 = arith.mulf %get3A_321, %exp3A_322 : vector<16xf32>
        %add3A_325 = arith.addf %scan3A_300, %mul3A_324 : vector<16xf32>
        %gt3A_326 = arith.cmpf ogt, %get3A_321, %scan3A_276 : vector<16xf32>
        %select_n3A_327 = arith.select %gt3A_326, %get3A_321, %scan3A_276 : vector<16xi1>, vector<16xf32>
        %select_n3A_328 = arith.select %gt3A_326, %broadcast_in_dim3A_312, %scan3A_284 : vector<16xi1>, vector<16xi32>
        %get3A_329 = arith.index_cast %add3A_310 : i32 to index
        %get3A_330 = arith.constant 32 : index
        %get3A_331 = tpu.vector_load %arg7[%get3A_329, %get3A_330] {strides = array<i32>} : memref<80x128xf32, #tpu.memory_space<vmem>>, vector<16xf32>,
        %exp3A_332 = math.exp %get3A_331 : vector<16xf32>
        %add3A_333 = arith.addf %scan3A_293, %exp3A_332 : vector<16xf32>
        %mul3A_334 = arith.mulf %get3A_331, %exp3A_332 : vector<16xf32>
        %add3A_335 = arith.addf %scan3A_301, %mul3A_334 : vector<16xf32>
        %gt3A_336 = arith.cmpf ogt, %get3A_331, %scan3A_277 : vector<16xf32>
        %select_n3A_337 = arith.select %gt3A_336, %get3A_331, %scan3A_277 : vector<16xi1>, vector<16xf32>
        %select_n3A_338 = arith.select %gt3A_336, %broadcast_in_dim3A_312, %scan3A_285 : vector<16xi1>, vector<16xi32>
        %get3A_339 = arith.index_cast %add3A_310 : i32 to index
        %get3A_340 = arith.constant 48 : index
        %get3A_341 = tpu.vector_load %arg7[%get3A_339, %get3A_340] {strides = array<i32>} : memref<80x128xf32, #tpu.memory_space<vmem>>, vector<16xf32>,
        %exp3A_342 = math.exp %get3A_341 : vector<16xf32>
        %add3A_343 = arith.addf %scan3A_294, %exp3A_342 : vector<16xf32>
        %mul3A_344 = arith.mulf %get3A_341, %exp3A_342 : vector<16xf32>
        %add3A_345 = arith.addf %scan3A_302, %mul3A_344 : vector<16xf32>
        %gt3A_346 = arith.cmpf ogt, %get3A_341, %scan3A_278 : vector<16xf32>
        %select_n3A_347 = arith.select %gt3A_346, %get3A_341, %scan3A_278 : vector<16xi1>, vector<16xf32>
        %select_n3A_348 = arith.select %gt3A_346, %broadcast_in_dim3A_312, %scan3A_286 : vector<16xi1>, vector<16xi32>
        %get3A_349 = arith.index_cast %add3A_310 : i32 to index
        %get3A_350 = arith.constant 64 : index
        %get3A_351 = tpu.vector_load %arg7[%get3A_349, %get3A_350] {strides = array<i32>} : memref<80x128xf32, #tpu.memory_space<vmem>>, vector<16xf32>,
        %exp3A_352 = math.exp %get3A_351 : vector<16xf32>
        %add3A_353 = arith.addf %scan3A_295, %exp3A_352 : vector<16xf32>
        %mul3A_354 = arith.mulf %get3A_351, %exp3A_352 : vector<16xf32>
        %add3A_355 = arith.addf %scan3A_303, %mul3A_354 : vector<16xf32>
        %gt3A_356 = arith.cmpf ogt, %get3A_351, %scan3A_279 : vector<16xf32>
        %select_n3A_357 = arith.select %gt3A_356, %get3A_351, %scan3A_279 : vector<16xi1>, vector<16xf32>
        %select_n3A_358 = arith.select %gt3A_356, %broadcast_in_dim3A_312, %scan3A_287 : vector<16xi1>, vector<16xi32>
        %get3A_359 = arith.index_cast %add3A_310 : i32 to index
        %get3A_360 = arith.constant 80 : index
        %get3A_361 = tpu.vector_load %arg7[%get3A_359, %get3A_360] {strides = array<i32>} : memref<80x128xf32, #tpu.memory_space<vmem>>, vector<16xf32>,
        %exp3A_362 = math.exp %get3A_361 : vector<16xf32>
        %add3A_363 = arith.addf %scan3A_296, %exp3A_362 : vector<16xf32>
        %mul3A_364 = arith.mulf %get3A_361, %exp3A_362 : vector<16xf32>
        %add3A_365 = arith.addf %scan3A_304, %mul3A_364 : vector<16xf32>
        %gt3A_366 = arith.cmpf ogt, %get3A_361, %scan3A_280 : vector<16xf32>
        %select_n3A_367 = arith.select %gt3A_366, %get3A_361, %scan3A_280 : vector<16xi1>, vector<16xf32>
        %select_n3A_368 = arith.select %gt3A_366, %broadcast_in_dim3A_312, %scan3A_288 : vector<16xi1>, vector<16xi32>
        %get3A_369 = arith.index_cast %add3A_310 : i32 to index
        %get3A_370 = arith.constant 96 : index
        %get3A_371 = tpu.vector_load %arg7[%get3A_369, %get3A_370] {strides = array<i32>} : memref<80x128xf32, #tpu.memory_space<vmem>>, vector<16xf32>,
        %exp3A_372 = math.exp %get3A_371 : vector<16xf32>
        %add3A_373 = arith.addf %scan3A_297, %exp3A_372 : vector<16xf32>
        %mul3A_374 = arith.mulf %get3A_371, %exp3A_372 : vector<16xf32>
        %add3A_375 = arith.addf %scan3A_305, %mul3A_374 : vector<16xf32>
        %gt3A_376 = arith.cmpf ogt, %get3A_371, %scan3A_281 : vector<16xf32>
        %select_n3A_377 = arith.select %gt3A_376, %get3A_371, %scan3A_281 : vector<16xi1>, vector<16xf32>
        %select_n3A_378 = arith.select %gt3A_376, %broadcast_in_dim3A_312, %scan3A_289 : vector<16xi1>, vector<16xi32>
        %get3A_379 = arith.index_cast %add3A_310 : i32 to index
        %get3A_380 = arith.constant 112 : index
        %get3A_381 = tpu.vector_load %arg7[%get3A_379, %get3A_380] {strides = array<i32>} : memref<80x128xf32, #tpu.memory_space<vmem>>, vector<16xf32>,
        %exp3A_382 = math.exp %get3A_381 : vector<16xf32>
        %add3A_383 = arith.addf %scan3A_298, %exp3A_382 : vector<16xf32>
        %mul3A_384 = arith.mulf %get3A_381, %exp3A_382 : vector<16xf32>
        %add3A_385 = arith.addf %scan3A_306, %mul3A_384 : vector<16xf32>
        %gt3A_386 = arith.cmpf ogt, %get3A_381, %scan3A_282 : vector<16xf32>
        %select_n3A_387 = arith.select %gt3A_386, %get3A_381, %scan3A_282 : vector<16xi1>, vector<16xf32>
        %select_n3A_388 = arith.select %gt3A_386, %broadcast_in_dim3A_312, %scan3A_290 : vector<16xi1>, vector<16xi32>
        %mul3A_389 = arith.constant 2 : i32
        %mul3A_390 = arith.muli %scan3A_274, %mul3A_389 : i32
        %add3A_391 = arith.constant 1 : i32
        %add3A_392 = arith.addi %mul3A_390, %add3A_391 : i32
        %add3A_393 = arith.addi %mul3A_226, %add3A_392 : i32
        %broadcast_in_dim3A_394 = vector.broadcast %add3A_393 : i32 to vector<16xi32>
        %get3A_395 = arith.index_cast %add3A_392 : i32 to index
        %get3A_396 = arith.constant 0 : index
        %get3A_397 = tpu.vector_load %arg7[%get3A_395, %get3A_396] {strides = array<i32>} : memref<80x128xf32, #tpu.memory_space<vmem>>, vector<16xf32>,
        %exp3A_398 = math.exp %get3A_397 : vector<16xf32>
        %add3A_399 = arith.addf %add3A_315, %exp3A_398 : vector<16xf32>
        %mul3A_400 = arith.mulf %get3A_397, %exp3A_398 : vector<16xf32>
        %add3A_401 = arith.addf %add3A_317, %mul3A_400 : vector<16xf32>
        %gt3A_402 = arith.cmpf ogt, %get3A_397, %select_n3A : vector<16xf32>
        %select_n3A_403 = arith.select %gt3A_402, %get3A_397, %select_n3A : vector<16xi1>, vector<16xf32>
        %select_n3A_404 = arith.select %gt3A_402, %broadcast_in_dim3A_394, %select_n3A_318 : vector<16xi1>, vector<16xi32>
        %get3A_405 = arith.index_cast %add3A_392 : i32 to index
        %get3A_406 = arith.constant 16 : index
        %get3A_407 = tpu.vector_load %arg7[%get3A_405, %get3A_406] {strides = array<i32>} : memref<80x128xf32, #tpu.memory_space<vmem>>, vector<16xf32>,
        %exp3A_408 = math.exp %get3A_407 : vector<16xf32>
        %add3A_409 = arith.addf %add3A_323, %exp3A_408 : vector<16xf32>
        %mul3A_410 = arith.mulf %get3A_407, %exp3A_408 : vector<16xf32>
        %add3A_411 = arith.addf %add3A_325, %mul3A_410 : vector<16xf32>
        %gt3A_412 = arith.cmpf ogt, %get3A_407, %select_n3A_327 : vector<16xf32>
        %select_n3A_413 = arith.select %gt3A_412, %get3A_407, %select_n3A_327 : vector<16xi1>, vector<16xf32>
        %select_n3A_414 = arith.select %gt3A_412, %broadcast_in_dim3A_394, %select_n3A_328 : vector<16xi1>, vector<16xi32>
        %get3A_415 = arith.index_cast %add3A_392 : i32 to index
        %get3A_416 = arith.constant 32 : index
        %get3A_417 = tpu.vector_load %arg7[%get3A_415, %get3A_416] {strides = array<i32>} : memref<80x128xf32, #tpu.memory_space<vmem>>, vector<16xf32>,
        %exp3A_418 = math.exp %get3A_417 : vector<16xf32>
        %add3A_419 = arith.addf %add3A_333, %exp3A_418 : vector<16xf32>
        %mul3A_420 = arith.mulf %get3A_417, %exp3A_418 : vector<16xf32>
        %add3A_421 = arith.addf %add3A_335, %mul3A_420 : vector<16xf32>
        %gt3A_422 = arith.cmpf ogt, %get3A_417, %select_n3A_337 : vector<16xf32>
        %select_n3A_423 = arith.select %gt3A_422, %get3A_417, %select_n3A_337 : vector<16xi1>, vector<16xf32>
        %select_n3A_424 = arith.select %gt3A_422, %broadcast_in_dim3A_394, %select_n3A_338 : vector<16xi1>, vector<16xi32>
        %get3A_425 = arith.index_cast %add3A_392 : i32 to index
        %get3A_426 = arith.constant 48 : index
        %get3A_427 = tpu.vector_load %arg7[%get3A_425, %get3A_426] {strides = array<i32>} : memref<80x128xf32, #tpu.memory_space<vmem>>, vector<16xf32>,
        %exp3A_428 = math.exp %get3A_427 : vector<16xf32>
        %add3A_429 = arith.addf %add3A_343, %exp3A_428 : vector<16xf32>
        %mul3A_430 = arith.mulf %get3A_427, %exp3A_428 : vector<16xf32>
        %add3A_431 = arith.addf %add3A_345, %mul3A_430 : vector<16xf32>
        %gt3A_432 = arith.cmpf ogt, %get3A_427, %select_n3A_347 : vector<16xf32>
        %select_n3A_433 = arith.select %gt3A_432, %get3A_427, %select_n3A_347 : vector<16xi1>, vector<16xf32>
        %select_n3A_434 = arith.select %gt3A_432, %broadcast_in_dim3A_394, %select_n3A_348 : vector<16xi1>, vector<16xi32>
        %get3A_435 = arith.index_cast %add3A_392 : i32 to index
        %get3A_436 = arith.constant 64 : index
        %get3A_437 = tpu.vector_load %arg7[%get3A_435, %get3A_436] {strides = array<i32>} : memref<80x128xf32, #tpu.memory_space<vmem>>, vector<16xf32>,
        %exp3A_438 = math.exp %get3A_437 : vector<16xf32>
        %add3A_439 = arith.addf %add3A_353, %exp3A_438 : vector<16xf32>
        %mul3A_440 = arith.mulf %get3A_437, %exp3A_438 : vector<16xf32>
        %add3A_441 = arith.addf %add3A_355, %mul3A_440 : vector<16xf32>
        %gt3A_442 = arith.cmpf ogt, %get3A_437, %select_n3A_357 : vector<16xf32>
        %select_n3A_443 = arith.select %gt3A_442, %get3A_437, %select_n3A_357 : vector<16xi1>, vector<16xf32>
        %select_n3A_444 = arith.select %gt3A_442, %broadcast_in_dim3A_394, %select_n3A_358 : vector<16xi1>, vector<16xi32>
        %get3A_445 = arith.index_cast %add3A_392 : i32 to index
        %get3A_446 = arith.constant 80 : index
        %get3A_447 = tpu.vector_load %arg7[%get3A_445, %get3A_446] {strides = array<i32>} : memref<80x128xf32, #tpu.memory_space<vmem>>, vector<16xf32>,
        %exp3A_448 = math.exp %get3A_447 : vector<16xf32>
        %add3A_449 = arith.addf %add3A_363, %exp3A_448 : vector<16xf32>
        %mul3A_450 = arith.mulf %get3A_447, %exp3A_448 : vector<16xf32>
        %add3A_451 = arith.addf %add3A_365, %mul3A_450 : vector<16xf32>
        %gt3A_452 = arith.cmpf ogt, %get3A_447, %select_n3A_367 : vector<16xf32>
        %select_n3A_453 = arith.select %gt3A_452, %get3A_447, %select_n3A_367 : vector<16xi1>, vector<16xf32>
        %select_n3A_454 = arith.select %gt3A_452, %broadcast_in_dim3A_394, %select_n3A_368 : vector<16xi1>, vector<16xi32>
        %get3A_455 = arith.index_cast %add3A_392 : i32 to index
        %get3A_456 = arith.constant 96 : index
        %get3A_457 = tpu.vector_load %arg7[%get3A_455, %get3A_456] {strides = array<i32>} : memref<80x128xf32, #tpu.memory_space<vmem>>, vector<16xf32>,
        %exp3A_458 = math.exp %get3A_457 : vector<16xf32>
        %add3A_459 = arith.addf %add3A_373, %exp3A_458 : vector<16xf32>
        %mul3A_460 = arith.mulf %get3A_457, %exp3A_458 : vector<16xf32>
        %add3A_461 = arith.addf %add3A_375, %mul3A_460 : vector<16xf32>
        %gt3A_462 = arith.cmpf ogt, %get3A_457, %select_n3A_377 : vector<16xf32>
        %select_n3A_463 = arith.select %gt3A_462, %get3A_457, %select_n3A_377 : vector<16xi1>, vector<16xf32>
        %select_n3A_464 = arith.select %gt3A_462, %broadcast_in_dim3A_394, %select_n3A_378 : vector<16xi1>, vector<16xi32>
        %get3A_465 = arith.index_cast %add3A_392 : i32 to index
        %get3A_466 = arith.constant 112 : index
        %get3A_467 = tpu.vector_load %arg7[%get3A_465, %get3A_466] {strides = array<i32>} : memref<80x128xf32, #tpu.memory_space<vmem>>, vector<16xf32>,
        %exp3A_468 = math.exp %get3A_467 : vector<16xf32>
        %add3A_469 = arith.addf %add3A_383, %exp3A_468 : vector<16xf32>
        %mul3A_470 = arith.mulf %get3A_467, %exp3A_468 : vector<16xf32>
        %add3A_471 = arith.addf %add3A_385, %mul3A_470 : vector<16xf32>
        %gt3A_472 = arith.cmpf ogt, %get3A_467, %select_n3A_387 : vector<16xf32>
        %select_n3A_473 = arith.select %gt3A_472, %get3A_467, %select_n3A_387 : vector<16xi1>, vector<16xf32>
        %select_n3A_474 = arith.select %gt3A_472, %broadcast_in_dim3A_394, %select_n3A_388 : vector<16xi1>, vector<16xi32>
        scf.yield %select_n3A_403, %select_n3A_413, %select_n3A_423, %select_n3A_433, %select_n3A_443, %select_n3A_453, %select_n3A_463, %select_n3A_473, %select_n3A_404, %select_n3A_414, %select_n3A_424, %select_n3A_434, %select_n3A_444, %select_n3A_454, %select_n3A_464, %select_n3A_474, %add3A_399, %add3A_409, %add3A_419, %add3A_429, %add3A_439, %add3A_449, %add3A_459, %add3A_469, %add3A_401, %add3A_411, %add3A_421, %add3A_431, %add3A_441, %add3A_451, %add3A_461, %add3A_471 : vector<16xf32>, vector<16xf32>, vector<16xf32>, vector<16xf32>, vector<16xf32>, vector<16xf32>, vector<16xf32>, vector<16xf32>, vector<16xi32>, vector<16xi32>, vector<16xi32>, vector<16xi32>, vector<16xi32>, vector<16xi32>, vector<16xi32>, vector<16xi32>, vector<16xf32>, vector<16xf32>, vector<16xf32>, vector<16xf32>, vector<16xf32>, vector<16xf32>, vector<16xf32>, vector<16xf32>, vector<16xf32>, vector<16xf32>, vector<16xf32>, vector<16xf32>, vector<16xf32>, vector<16xf32>, vector<16xf32>, vector<16xf32>
      }
      %scan3A_231 = arith.constant 40 : i32
      %add3A_232 = arith.constant 2 : i32
      %add3A_233 = arith.addi %mul3A_217, %add3A_232 : i32
      %sub3A_234 = arith.constant 1 : i32
      %sub3A_235 = arith.subi %add3A_10, %sub3A_234 : i32
      %min3A = arith.minsi %add3A_233, %sub3A_235 : i32
      %add3A_236 = arith.addi %add3A_7, %min3A : i32
      %mul3A_237 = arith.constant 80 : i32
      %mul3A_238 = arith.muli %add3A_236, %mul3A_237 : i32
      %multiple_of3A_239 = tpu.assume_multiple %mul3A_238, 8 : i32
      %dma_start3A_240 = arith.constant 0 : i32
      %dma_start3A_241 = tpu.memref_slice %arg2[%multiple_of3A_239, %dma_start3A_240] : memref<100000x128xf32, #tpu.memory_space<hbm>> -> memref<80x128xf32, #tpu.memory_space<hbm>>
      %dma_start3A_242 = arith.constant 0 : i32
      %dma_start3A_243 = tpu.memref_slice %arg2[%multiple_of3A_239, %dma_start3A_242] : memref<100000x128xf32, #tpu.memory_space<hbm>> -> memref<80x128xf32, #tpu.memory_space<hbm>>
      tpu.enqueue_dma source(%dma_start3A_243 : memref<80x128xf32, #tpu.memory_space<hbm>>) target(%arg7 : memref<80x128xf32, #tpu.memory_space<vmem>>) target_semaphore(%arg13 : memref<!tpu.dma_semaphore, #tpu.memory_space<semaphore_mem>>)
      %dma_wait3A_244 = arith.constant 0 : i32
      %dma_wait3A_245 = arith.constant 0 : i32
      %dma_wait3A_246 = tpu.memref_slice %arg2[%dma_wait3A_244, %dma_wait3A_245] : memref<100000x128xf32, #tpu.memory_space<hbm>> -> memref<80x128xf32, #tpu.memory_space<hbm>>
      %dma_wait3A_247 = arith.constant 0 : i32
      %dma_wait3A_248 = arith.constant 0 : i32
      %dma_wait3A_249 = tpu.memref_slice %arg2[%dma_wait3A_247, %dma_wait3A_248] : memref<100000x128xf32, #tpu.memory_space<hbm>> -> memref<80x128xf32, #tpu.memory_space<hbm>>
      tpu.wait_dma2 semaphore(%arg14 : memref<!tpu.dma_semaphore, #tpu.memory_space<semaphore_mem>>) src(%dma_wait3A_249 : memref<80x128xf32, #tpu.memory_space<hbm>>) dst(%arg8 : memref<80x128xf32, #tpu.memory_space<vmem>>)
      %add3A_250 = arith.constant 1 : i32
      %add3A_251 = arith.addi %mul3A_217, %add3A_250 : i32
      %add3A_252 = arith.addi %add3A_7, %add3A_251 : i32
      %mul3A_253 = arith.constant 80 : i32
      %mul3A_254 = arith.muli %add3A_252, %mul3A_253 : i32
      %scan3A_255 = arith.constant 0 : i32
      %scan3A_256 = arith.constant 40 : i32
      %scan3A_257 = arith.addi %scan3A_255, %scan3A_256 : i32
      %scan3A_258 = arith.constant 1 : i32
      %scan3A_259:32 = scf.for %scan3A_274 = %scan3A_255 to %scan3A_257 step %scan3A_258 iter_args(%scan3A_275 = %scan3A_230#0, %scan3A_276 = %scan3A_230#1, %scan3A_277 = %scan3A_230#2, %scan3A_278 = %scan3A_230#3, %scan3A_279 = %scan3A_230#4, %scan3A_280 = %scan3A_230#5, %scan3A_281 = %scan3A_230#6, %scan3A_282 = %scan3A_230#7, %scan3A_283 = %scan3A_230#8, %scan3A_284 = %scan3A_230#9, %scan3A_285 = %scan3A_230#10, %scan3A_286 = %scan3A_230#11, %scan3A_287 = %scan3A_230#12, %scan3A_288 = %scan3A_230#13, %scan3A_289 = %scan3A_230#14, %scan3A_290 = %scan3A_230#15, %scan3A_291 = %scan3A_230#16, %scan3A_292 = %scan3A_230#17, %scan3A_293 = %scan3A_230#18, %scan3A_294 = %scan3A_230#19, %scan3A_295 = %scan3A_230#20, %scan3A_296 = %scan3A_230#21, %scan3A_297 = %scan3A_230#22, %scan3A_298 = %scan3A_230#23, %scan3A_299 = %scan3A_230#24, %scan3A_300 = %scan3A_230#25, %scan3A_301 = %scan3A_230#26, %scan3A_302 = %scan3A_230#27, %scan3A_303 = %scan3A_230#28, %scan3A_304 = %scan3A_230#29, %scan3A_305 = %scan3A_230#30, %scan3A_306 = %scan3A_230#31) -> (vector<16xf32>, vector<16xf32>, vector<16xf32>, vector<16xf32>, vector<16xf32>, vector<16xf32>, vector<16xf32>, vector<16xf32>, vector<16xi32>, vector<16xi32>, vector<16xi32>, vector<16xi32>, vector<16xi32>, vector<16xi32>, vector<16xi32>, vector<16xi32>, vector<16xf32>, vector<16xf32>, vector<16xf32>, vector<16xf32>, vector<16xf32>, vector<16xf32>, vector<16xf32>, vector<16xf32>, vector<16xf32>, vector<16xf32>, vector<16xf32>, vector<16xf32>, vector<16xf32>, vector<16xf32>, vector<16xf32>, vector<16xf32>)  : i32 {
        %mul3A_307 = arith.constant 2 : i32
        %mul3A_308 = arith.muli %scan3A_274, %mul3A_307 : i32
        %add3A_309 = arith.constant 0 : i32
        %add3A_310 = arith.addi %mul3A_308, %add3A_309 : i32
        %add3A_311 = arith.addi %mul3A_254, %add3A_310 : i32
        %broadcast_in_dim3A_312 = vector.broadcast %add3A_311 : i32 to vector<16xi32>
        %get3A = arith.index_cast %add3A_310 : i32 to index
        %get3A_313 = arith.constant 0 : index
        %get3A_314 = tpu.vector_load %arg8[%get3A, %get3A_313] {strides = array<i32>} : memref<80x128xf32, #tpu.memory_space<vmem>>, vector<16xf32>,
        %exp3A = math.exp %get3A_314 : vector<16xf32>
        %add3A_315 = arith.addf %scan3A_291, %exp3A : vector<16xf32>
        %mul3A_316 = arith.mulf %get3A_314, %exp3A : vector<16xf32>
        %add3A_317 = arith.addf %scan3A_299, %mul3A_316 : vector<16xf32>
        %gt3A = arith.cmpf ogt, %get3A_314, %scan3A_275 : vector<16xf32>
        %select_n3A = arith.select %gt3A, %get3A_314, %scan3A_275 : vector<16xi1>, vector<16xf32>
        %select_n3A_318 = arith.select %gt3A, %broadcast_in_dim3A_312, %scan3A_283 : vector<16xi1>, vector<16xi32>
        %get3A_319 = arith.index_cast %add3A_310 : i32 to index
        %get3A_320 = arith.constant 16 : index
        %get3A_321 = tpu.vector_load %arg8[%get3A_319, %get3A_320] {strides = array<i32>} : memref<80x128xf32, #tpu.memory_space<vmem>>, vector<16xf32>,
        %exp3A_322 = math.exp %get3A_321 : vector<16xf32>
        %add3A_323 = arith.addf %scan3A_292, %exp3A_322 : vector<16xf32>
        %mul3A_324 = arith.mulf %get3A_321, %exp3A_322 : vector<16xf32>
        %add3A_325 = arith.addf %scan3A_300, %mul3A_324 : vector<16xf32>
        %gt3A_326 = arith.cmpf ogt, %get3A_321, %scan3A_276 : vector<16xf32>
        %select_n3A_327 = arith.select %gt3A_326, %get3A_321, %scan3A_276 : vector<16xi1>, vector<16xf32>
        %select_n3A_328 = arith.select %gt3A_326, %broadcast_in_dim3A_312, %scan3A_284 : vector<16xi1>, vector<16xi32>
        %get3A_329 = arith.index_cast %add3A_310 : i32 to index
        %get3A_330 = arith.constant 32 : index
        %get3A_331 = tpu.vector_load %arg8[%get3A_329, %get3A_330] {strides = array<i32>} : memref<80x128xf32, #tpu.memory_space<vmem>>, vector<16xf32>,
        %exp3A_332 = math.exp %get3A_331 : vector<16xf32>
        %add3A_333 = arith.addf %scan3A_293, %exp3A_332 : vector<16xf32>
        %mul3A_334 = arith.mulf %get3A_331, %exp3A_332 : vector<16xf32>
        %add3A_335 = arith.addf %scan3A_301, %mul3A_334 : vector<16xf32>
        %gt3A_336 = arith.cmpf ogt, %get3A_331, %scan3A_277 : vector<16xf32>
        %select_n3A_337 = arith.select %gt3A_336, %get3A_331, %scan3A_277 : vector<16xi1>, vector<16xf32>
        %select_n3A_338 = arith.select %gt3A_336, %broadcast_in_dim3A_312, %scan3A_285 : vector<16xi1>, vector<16xi32>
        %get3A_339 = arith.index_cast %add3A_310 : i32 to index
        %get3A_340 = arith.constant 48 : index
        %get3A_341 = tpu.vector_load %arg8[%get3A_339, %get3A_340] {strides = array<i32>} : memref<80x128xf32, #tpu.memory_space<vmem>>, vector<16xf32>,
        %exp3A_342 = math.exp %get3A_341 : vector<16xf32>
        %add3A_343 = arith.addf %scan3A_294, %exp3A_342 : vector<16xf32>
        %mul3A_344 = arith.mulf %get3A_341, %exp3A_342 : vector<16xf32>
        %add3A_345 = arith.addf %scan3A_302, %mul3A_344 : vector<16xf32>
        %gt3A_346 = arith.cmpf ogt, %get3A_341, %scan3A_278 : vector<16xf32>
        %select_n3A_347 = arith.select %gt3A_346, %get3A_341, %scan3A_278 : vector<16xi1>, vector<16xf32>
        %select_n3A_348 = arith.select %gt3A_346, %broadcast_in_dim3A_312, %scan3A_286 : vector<16xi1>, vector<16xi32>
        %get3A_349 = arith.index_cast %add3A_310 : i32 to index
        %get3A_350 = arith.constant 64 : index
        %get3A_351 = tpu.vector_load %arg8[%get3A_349, %get3A_350] {strides = array<i32>} : memref<80x128xf32, #tpu.memory_space<vmem>>, vector<16xf32>,
        %exp3A_352 = math.exp %get3A_351 : vector<16xf32>
        %add3A_353 = arith.addf %scan3A_295, %exp3A_352 : vector<16xf32>
        %mul3A_354 = arith.mulf %get3A_351, %exp3A_352 : vector<16xf32>
        %add3A_355 = arith.addf %scan3A_303, %mul3A_354 : vector<16xf32>
        %gt3A_356 = arith.cmpf ogt, %get3A_351, %scan3A_279 : vector<16xf32>
        %select_n3A_357 = arith.select %gt3A_356, %get3A_351, %scan3A_279 : vector<16xi1>, vector<16xf32>
        %select_n3A_358 = arith.select %gt3A_356, %broadcast_in_dim3A_312, %scan3A_287 : vector<16xi1>, vector<16xi32>
        %get3A_359 = arith.index_cast %add3A_310 : i32 to index
        %get3A_360 = arith.constant 80 : index
        %get3A_361 = tpu.vector_load %arg8[%get3A_359, %get3A_360] {strides = array<i32>} : memref<80x128xf32, #tpu.memory_space<vmem>>, vector<16xf32>,
        %exp3A_362 = math.exp %get3A_361 : vector<16xf32>
        %add3A_363 = arith.addf %scan3A_296, %exp3A_362 : vector<16xf32>
        %mul3A_364 = arith.mulf %get3A_361, %exp3A_362 : vector<16xf32>
        %add3A_365 = arith.addf %scan3A_304, %mul3A_364 : vector<16xf32>
        %gt3A_366 = arith.cmpf ogt, %get3A_361, %scan3A_280 : vector<16xf32>
        %select_n3A_367 = arith.select %gt3A_366, %get3A_361, %scan3A_280 : vector<16xi1>, vector<16xf32>
        %select_n3A_368 = arith.select %gt3A_366, %broadcast_in_dim3A_312, %scan3A_288 : vector<16xi1>, vector<16xi32>
        %get3A_369 = arith.index_cast %add3A_310 : i32 to index
        %get3A_370 = arith.constant 96 : index
        %get3A_371 = tpu.vector_load %arg8[%get3A_369, %get3A_370] {strides = array<i32>} : memref<80x128xf32, #tpu.memory_space<vmem>>, vector<16xf32>,
        %exp3A_372 = math.exp %get3A_371 : vector<16xf32>
        %add3A_373 = arith.addf %scan3A_297, %exp3A_372 : vector<16xf32>
        %mul3A_374 = arith.mulf %get3A_371, %exp3A_372 : vector<16xf32>
        %add3A_375 = arith.addf %scan3A_305, %mul3A_374 : vector<16xf32>
        %gt3A_376 = arith.cmpf ogt, %get3A_371, %scan3A_281 : vector<16xf32>
        %select_n3A_377 = arith.select %gt3A_376, %get3A_371, %scan3A_281 : vector<16xi1>, vector<16xf32>
        %select_n3A_378 = arith.select %gt3A_376, %broadcast_in_dim3A_312, %scan3A_289 : vector<16xi1>, vector<16xi32>
        %get3A_379 = arith.index_cast %add3A_310 : i32 to index
        %get3A_380 = arith.constant 112 : index
        %get3A_381 = tpu.vector_load %arg8[%get3A_379, %get3A_380] {strides = array<i32>} : memref<80x128xf32, #tpu.memory_space<vmem>>, vector<16xf32>,
        %exp3A_382 = math.exp %get3A_381 : vector<16xf32>
        %add3A_383 = arith.addf %scan3A_298, %exp3A_382 : vector<16xf32>
        %mul3A_384 = arith.mulf %get3A_381, %exp3A_382 : vector<16xf32>
        %add3A_385 = arith.addf %scan3A_306, %mul3A_384 : vector<16xf32>
        %gt3A_386 = arith.cmpf ogt, %get3A_381, %scan3A_282 : vector<16xf32>
        %select_n3A_387 = arith.select %gt3A_386, %get3A_381, %scan3A_282 : vector<16xi1>, vector<16xf32>
        %select_n3A_388 = arith.select %gt3A_386, %broadcast_in_dim3A_312, %scan3A_290 : vector<16xi1>, vector<16xi32>
        %mul3A_389 = arith.constant 2 : i32
        %mul3A_390 = arith.muli %scan3A_274, %mul3A_389 : i32
        %add3A_391 = arith.constant 1 : i32
        %add3A_392 = arith.addi %mul3A_390, %add3A_391 : i32
        %add3A_393 = arith.addi %mul3A_254, %add3A_392 : i32
        %broadcast_in_dim3A_394 = vector.broadcast %add3A_393 : i32 to vector<16xi32>
        %get3A_395 = arith.index_cast %add3A_392 : i32 to index
        %get3A_396 = arith.constant 0 : index
        %get3A_397 = tpu.vector_load %arg8[%get3A_395, %get3A_396] {strides = array<i32>} : memref<80x128xf32, #tpu.memory_space<vmem>>, vector<16xf32>,
        %exp3A_398 = math.exp %get3A_397 : vector<16xf32>
        %add3A_399 = arith.addf %add3A_315, %exp3A_398 : vector<16xf32>
        %mul3A_400 = arith.mulf %get3A_397, %exp3A_398 : vector<16xf32>
        %add3A_401 = arith.addf %add3A_317, %mul3A_400 : vector<16xf32>
        %gt3A_402 = arith.cmpf ogt, %get3A_397, %select_n3A : vector<16xf32>
        %select_n3A_403 = arith.select %gt3A_402, %get3A_397, %select_n3A : vector<16xi1>, vector<16xf32>
        %select_n3A_404 = arith.select %gt3A_402, %broadcast_in_dim3A_394, %select_n3A_318 : vector<16xi1>, vector<16xi32>
        %get3A_405 = arith.index_cast %add3A_392 : i32 to index
        %get3A_406 = arith.constant 16 : index
        %get3A_407 = tpu.vector_load %arg8[%get3A_405, %get3A_406] {strides = array<i32>} : memref<80x128xf32, #tpu.memory_space<vmem>>, vector<16xf32>,
        %exp3A_408 = math.exp %get3A_407 : vector<16xf32>
        %add3A_409 = arith.addf %add3A_323, %exp3A_408 : vector<16xf32>
        %mul3A_410 = arith.mulf %get3A_407, %exp3A_408 : vector<16xf32>
        %add3A_411 = arith.addf %add3A_325, %mul3A_410 : vector<16xf32>
        %gt3A_412 = arith.cmpf ogt, %get3A_407, %select_n3A_327 : vector<16xf32>
        %select_n3A_413 = arith.select %gt3A_412, %get3A_407, %select_n3A_327 : vector<16xi1>, vector<16xf32>
        %select_n3A_414 = arith.select %gt3A_412, %broadcast_in_dim3A_394, %select_n3A_328 : vector<16xi1>, vector<16xi32>
        %get3A_415 = arith.index_cast %add3A_392 : i32 to index
        %get3A_416 = arith.constant 32 : index
        %get3A_417 = tpu.vector_load %arg8[%get3A_415, %get3A_416] {strides = array<i32>} : memref<80x128xf32, #tpu.memory_space<vmem>>, vector<16xf32>,
        %exp3A_418 = math.exp %get3A_417 : vector<16xf32>
        %add3A_419 = arith.addf %add3A_333, %exp3A_418 : vector<16xf32>
        %mul3A_420 = arith.mulf %get3A_417, %exp3A_418 : vector<16xf32>
        %add3A_421 = arith.addf %add3A_335, %mul3A_420 : vector<16xf32>
        %gt3A_422 = arith.cmpf ogt, %get3A_417, %select_n3A_337 : vector<16xf32>
        %select_n3A_423 = arith.select %gt3A_422, %get3A_417, %select_n3A_337 : vector<16xi1>, vector<16xf32>
        %select_n3A_424 = arith.select %gt3A_422, %broadcast_in_dim3A_394, %select_n3A_338 : vector<16xi1>, vector<16xi32>
        %get3A_425 = arith.index_cast %add3A_392 : i32 to index
        %get3A_426 = arith.constant 48 : index
        %get3A_427 = tpu.vector_load %arg8[%get3A_425, %get3A_426] {strides = array<i32>} : memref<80x128xf32, #tpu.memory_space<vmem>>, vector<16xf32>,
        %exp3A_428 = math.exp %get3A_427 : vector<16xf32>
        %add3A_429 = arith.addf %add3A_343, %exp3A_428 : vector<16xf32>
        %mul3A_430 = arith.mulf %get3A_427, %exp3A_428 : vector<16xf32>
        %add3A_431 = arith.addf %add3A_345, %mul3A_430 : vector<16xf32>
        %gt3A_432 = arith.cmpf ogt, %get3A_427, %select_n3A_347 : vector<16xf32>
        %select_n3A_433 = arith.select %gt3A_432, %get3A_427, %select_n3A_347 : vector<16xi1>, vector<16xf32>
        %select_n3A_434 = arith.select %gt3A_432, %broadcast_in_dim3A_394, %select_n3A_348 : vector<16xi1>, vector<16xi32>
        %get3A_435 = arith.index_cast %add3A_392 : i32 to index
        %get3A_436 = arith.constant 64 : index
        %get3A_437 = tpu.vector_load %arg8[%get3A_435, %get3A_436] {strides = array<i32>} : memref<80x128xf32, #tpu.memory_space<vmem>>, vector<16xf32>,
        %exp3A_438 = math.exp %get3A_437 : vector<16xf32>
        %add3A_439 = arith.addf %add3A_353, %exp3A_438 : vector<16xf32>
        %mul3A_440 = arith.mulf %get3A_437, %exp3A_438 : vector<16xf32>
        %add3A_441 = arith.addf %add3A_355, %mul3A_440 : vector<16xf32>
        %gt3A_442 = arith.cmpf ogt, %get3A_437, %select_n3A_357 : vector<16xf32>
        %select_n3A_443 = arith.select %gt3A_442, %get3A_437, %select_n3A_357 : vector<16xi1>, vector<16xf32>
        %select_n3A_444 = arith.select %gt3A_442, %broadcast_in_dim3A_394, %select_n3A_358 : vector<16xi1>, vector<16xi32>
        %get3A_445 = arith.index_cast %add3A_392 : i32 to index
        %get3A_446 = arith.constant 80 : index
        %get3A_447 = tpu.vector_load %arg8[%get3A_445, %get3A_446] {strides = array<i32>} : memref<80x128xf32, #tpu.memory_space<vmem>>, vector<16xf32>,
        %exp3A_448 = math.exp %get3A_447 : vector<16xf32>
        %add3A_449 = arith.addf %add3A_363, %exp3A_448 : vector<16xf32>
        %mul3A_450 = arith.mulf %get3A_447, %exp3A_448 : vector<16xf32>
        %add3A_451 = arith.addf %add3A_365, %mul3A_450 : vector<16xf32>
        %gt3A_452 = arith.cmpf ogt, %get3A_447, %select_n3A_367 : vector<16xf32>
        %select_n3A_453 = arith.select %gt3A_452, %get3A_447, %select_n3A_367 : vector<16xi1>, vector<16xf32>
        %select_n3A_454 = arith.select %gt3A_452, %broadcast_in_dim3A_394, %select_n3A_368 : vector<16xi1>, vector<16xi32>
        %get3A_455 = arith.index_cast %add3A_392 : i32 to index
        %get3A_456 = arith.constant 96 : index
        %get3A_457 = tpu.vector_load %arg8[%get3A_455, %get3A_456] {strides = array<i32>} : memref<80x128xf32, #tpu.memory_space<vmem>>, vector<16xf32>,
        %exp3A_458 = math.exp %get3A_457 : vector<16xf32>
        %add3A_459 = arith.addf %add3A_373, %exp3A_458 : vector<16xf32>
        %mul3A_460 = arith.mulf %get3A_457, %exp3A_458 : vector<16xf32>
        %add3A_461 = arith.addf %add3A_375, %mul3A_460 : vector<16xf32>
        %gt3A_462 = arith.cmpf ogt, %get3A_457, %select_n3A_377 : vector<16xf32>
        %select_n3A_463 = arith.select %gt3A_462, %get3A_457, %select_n3A_377 : vector<16xi1>, vector<16xf32>
        %select_n3A_464 = arith.select %gt3A_462, %broadcast_in_dim3A_394, %select_n3A_378 : vector<16xi1>, vector<16xi32>
        %get3A_465 = arith.index_cast %add3A_392 : i32 to index
        %get3A_466 = arith.constant 112 : index
        %get3A_467 = tpu.vector_load %arg8[%get3A_465, %get3A_466] {strides = array<i32>} : memref<80x128xf32, #tpu.memory_space<vmem>>, vector<16xf32>,
        %exp3A_468 = math.exp %get3A_467 : vector<16xf32>
        %add3A_469 = arith.addf %add3A_383, %exp3A_468 : vector<16xf32>
        %mul3A_470 = arith.mulf %get3A_467, %exp3A_468 : vector<16xf32>
        %add3A_471 = arith.addf %add3A_385, %mul3A_470 : vector<16xf32>
        %gt3A_472 = arith.cmpf ogt, %get3A_467, %select_n3A_387 : vector<16xf32>
        %select_n3A_473 = arith.select %gt3A_472, %get3A_467, %select_n3A_387 : vector<16xi1>, vector<16xf32>
        %select_n3A_474 = arith.select %gt3A_472, %broadcast_in_dim3A_394, %select_n3A_388 : vector<16xi1>, vector<16xi32>
        scf.yield %select_n3A_403, %select_n3A_413, %select_n3A_423, %select_n3A_433, %select_n3A_443, %select_n3A_453, %select_n3A_463, %select_n3A_473, %select_n3A_404, %select_n3A_414, %select_n3A_424, %select_n3A_434, %select_n3A_444, %select_n3A_454, %select_n3A_464, %select_n3A_474, %add3A_399, %add3A_409, %add3A_419, %add3A_429, %add3A_439, %add3A_449, %add3A_459, %add3A_469, %add3A_401, %add3A_411, %add3A_421, %add3A_431, %add3A_441, %add3A_451, %add3A_461, %add3A_471 : vector<16xf32>, vector<16xf32>, vector<16xf32>, vector<16xf32>, vector<16xf32>, vector<16xf32>, vector<16xf32>, vector<16xf32>, vector<16xi32>, vector<16xi32>, vector<16xi32>, vector<16xi32>, vector<16xi32>, vector<16xi32>, vector<16xi32>, vector<16xi32>, vector<16xf32>, vector<16xf32>, vector<16xf32>, vector<16xf32>, vector<16xf32>, vector<16xf32>, vector<16xf32>, vector<16xf32>, vector<16xf32>, vector<16xf32>, vector<16xf32>, vector<16xf32>, vector<16xf32>, vector<16xf32>, vector<16xf32>, vector<16xf32>
      }
      %scan3A_260 = arith.constant 40 : i32
      %add3A_261 = arith.constant 3 : i32
      %add3A_262 = arith.addi %mul3A_217, %add3A_261 : i32
      %sub3A_263 = arith.constant 1 : i32
      %sub3A_264 = arith.subi %add3A_10, %sub3A_263 : i32
      %min3A_265 = arith.minsi %add3A_262, %sub3A_264 : i32
      %add3A_266 = arith.addi %add3A_7, %min3A_265 : i32
      %mul3A_267 = arith.constant 80 : i32
      %mul3A_268 = arith.muli %add3A_266, %mul3A_267 : i32
      %multiple_of3A_269 = tpu.assume_multiple %mul3A_268, 8 : i32
      %dma_start3A_270 = arith.constant 0 : i32
      %dma_start3A_271 = tpu.memref_slice %arg2[%multiple_of3A_269, %dma_start3A_270] : memref<100000x128xf32, #tpu.memory_space<hbm>> -> memref<80x128xf32, #tpu.memory_space<hbm>>
      %dma_start3A_272 = arith.constant 0 : i32
      %dma_start3A_273 = tpu.memref_slice %arg2[%multiple_of3A_269, %dma_start3A_272] : memref<100000x128xf32, #tpu.memory_space<hbm>> -> memref<80x128xf32, #tpu.memory_space<hbm>>
      tpu.enqueue_dma source(%dma_start3A_273 : memref<80x128xf32, #tpu.memory_space<hbm>>) target(%arg8 : memref<80x128xf32, #tpu.memory_space<vmem>>) target_semaphore(%arg14 : memref<!tpu.dma_semaphore, #tpu.memory_space<semaphore_mem>>)
      scf.yield %scan3A_259#0, %scan3A_259#1, %scan3A_259#2, %scan3A_259#3, %scan3A_259#4, %scan3A_259#5, %scan3A_259#6, %scan3A_259#7, %scan3A_259#8, %scan3A_259#9, %scan3A_259#10, %scan3A_259#11, %scan3A_259#12, %scan3A_259#13, %scan3A_259#14, %scan3A_259#15, %scan3A_259#16, %scan3A_259#17, %scan3A_259#18, %scan3A_259#19, %scan3A_259#20, %scan3A_259#21, %scan3A_259#22, %scan3A_259#23, %scan3A_259#24, %scan3A_259#25, %scan3A_259#26, %scan3A_259#27, %scan3A_259#28, %scan3A_259#29, %scan3A_259#30, %scan3A_259#31 : vector<16xf32>, vector<16xf32>, vector<16xf32>, vector<16xf32>, vector<16xf32>, vector<16xf32>, vector<16xf32>, vector<16xf32>, vector<16xi32>, vector<16xi32>, vector<16xi32>, vector<16xi32>, vector<16xi32>, vector<16xi32>, vector<16xi32>, vector<16xi32>, vector<16xf32>, vector<16xf32>, vector<16xf32>, vector<16xf32>, vector<16xf32>, vector<16xf32>, vector<16xf32>, vector<16xf32>, vector<16xf32>, vector<16xf32>, vector<16xf32>, vector<16xf32>, vector<16xf32>, vector<16xf32>, vector<16xf32>, vector<16xf32>
    }
    %dma_wait3A = arith.constant 0 : i32
    %dma_wait3A_101 = arith.constant 0 : i32
    %dma_wait3A_102 = tpu.memref_slice %arg2[%dma_wait3A, %dma_wait3A_101] : memref<100000x128xf32, #tpu.memory_space<hbm>> -> memref<80x128xf32, #tpu.memory_space<hbm>>
    %dma_wait3A_103 = arith.constant 0 : i32
    %dma_wait3A_104 = arith.constant 0 : i32
    %dma_wait3A_105 = tpu.memref_slice %arg2[%dma_wait3A_103, %dma_wait3A_104] : memref<100000x128xf32, #tpu.memory_space<hbm>> -> memref<80x128xf32, #tpu.memory_space<hbm>>
    tpu.wait_dma2 semaphore(%arg13 : memref<!tpu.dma_semaphore, #tpu.memory_space<semaphore_mem>>) src(%dma_wait3A_105 : memref<80x128xf32, #tpu.memory_space<hbm>>) dst(%arg7 : memref<80x128xf32, #tpu.memory_space<vmem>>)
    %and3A = arith.constant 1 : i32
    %and3A_106 = arith.andi %add3A_10, %and3A : i32
    %eq3A = arith.constant 1 : i32
    %eq3A_107 = arith.cmpi eq, %and3A_106, %eq3A : i32
    %convert_element_type3A_108 = arith.extui %eq3A_107 : i1 to i32
    %cond3A = arith.constant 0 : i32
    %cond3A_109 = arith.cmpi ne, %convert_element_type3A_108, %cond3A : i32
    %cond3A_110:32 = scf.if %cond3A_109 -> (vector<16xf32>, vector<16xf32>, vector<16xf32>, vector<16xf32>, vector<16xf32>, vector<16xf32>, vector<16xf32>, vector<16xf32>, vector<16xi32>, vector<16xi32>, vector<16xi32>, vector<16xi32>, vector<16xi32>, vector<16xi32>, vector<16xi32>, vector<16xi32>, vector<16xf32>, vector<16xf32>, vector<16xf32>, vector<16xf32>, vector<16xf32>, vector<16xf32>, vector<16xf32>, vector<16xf32>, vector<16xf32>, vector<16xf32>, vector<16xf32>, vector<16xf32>, vector<16xf32>, vector<16xf32>, vector<16xf32>, vector<16xf32>) {
      %sub3A_183 = arith.constant 1 : i32
      %sub3A_184 = arith.subi %add3A_10, %sub3A_183 : i32
      %add3A_185 = arith.addi %add3A_7, %sub3A_184 : i32
      %mul3A_186 = arith.constant 80 : i32
      %mul3A_187 = arith.muli %add3A_185, %mul3A_186 : i32
      %scan3A = arith.constant 0 : i32
      %scan3A_188 = arith.constant 40 : i32
      %scan3A_189 = arith.addi %scan3A, %scan3A_188 : i32
      %scan3A_190 = arith.constant 1 : i32
      %scan3A_191:32 = scf.for %scan3A_193 = %scan3A to %scan3A_189 step %scan3A_190 iter_args(%scan3A_194 = %while3A_100#0, %scan3A_195 = %while3A_100#1, %scan3A_196 = %while3A_100#2, %scan3A_197 = %while3A_100#3, %scan3A_198 = %while3A_100#4, %scan3A_199 = %while3A_100#5, %scan3A_200 = %while3A_100#6, %scan3A_201 = %while3A_100#7, %scan3A_202 = %while3A_100#8, %scan3A_203 = %while3A_100#9, %scan3A_204 = %while3A_100#10, %scan3A_205 = %while3A_100#11, %scan3A_206 = %while3A_100#12, %scan3A_207 = %while3A_100#13, %scan3A_208 = %while3A_100#14, %scan3A_209 = %while3A_100#15, %scan3A_210 = %while3A_100#16, %scan3A_211 = %while3A_100#17, %scan3A_212 = %while3A_100#18, %scan3A_213 = %while3A_100#19, %scan3A_214 = %while3A_100#20, %scan3A_215 = %while3A_100#21, %scan3A_216 = %while3A_100#22, %scan3A_217 = %while3A_100#23, %scan3A_218 = %while3A_100#24, %scan3A_219 = %while3A_100#25, %scan3A_220 = %while3A_100#26, %scan3A_221 = %while3A_100#27, %scan3A_222 = %while3A_100#28, %scan3A_223 = %while3A_100#29, %scan3A_224 = %while3A_100#30, %scan3A_225 = %while3A_100#31) -> (vector<16xf32>, vector<16xf32>, vector<16xf32>, vector<16xf32>, vector<16xf32>, vector<16xf32>, vector<16xf32>, vector<16xf32>, vector<16xi32>, vector<16xi32>, vector<16xi32>, vector<16xi32>, vector<16xi32>, vector<16xi32>, vector<16xi32>, vector<16xi32>, vector<16xf32>, vector<16xf32>, vector<16xf32>, vector<16xf32>, vector<16xf32>, vector<16xf32>, vector<16xf32>, vector<16xf32>, vector<16xf32>, vector<16xf32>, vector<16xf32>, vector<16xf32>, vector<16xf32>, vector<16xf32>, vector<16xf32>, vector<16xf32>)  : i32 {
        %mul3A_226 = arith.constant 2 : i32
        %mul3A_227 = arith.muli %scan3A_193, %mul3A_226 : i32
        %add3A_228 = arith.constant 0 : i32
        %add3A_229 = arith.addi %mul3A_227, %add3A_228 : i32
        %add3A_230 = arith.addi %mul3A_187, %add3A_229 : i32
        %broadcast_in_dim3A_231 = vector.broadcast %add3A_230 : i32 to vector<16xi32>
        %get3A = arith.index_cast %add3A_229 : i32 to index
        %get3A_232 = arith.constant 0 : index
        %get3A_233 = tpu.vector_load %arg7[%get3A, %get3A_232] {strides = array<i32>} : memref<80x128xf32, #tpu.memory_space<vmem>>, vector<16xf32>,
        %exp3A = math.exp %get3A_233 : vector<16xf32>
        %add3A_234 = arith.addf %scan3A_210, %exp3A : vector<16xf32>
        %mul3A_235 = arith.mulf %get3A_233, %exp3A : vector<16xf32>
        %add3A_236 = arith.addf %scan3A_218, %mul3A_235 : vector<16xf32>
        %gt3A = arith.cmpf ogt, %get3A_233, %scan3A_194 : vector<16xf32>
        %select_n3A = arith.select %gt3A, %get3A_233, %scan3A_194 : vector<16xi1>, vector<16xf32>
        %select_n3A_237 = arith.select %gt3A, %broadcast_in_dim3A_231, %scan3A_202 : vector<16xi1>, vector<16xi32>
        %get3A_238 = arith.index_cast %add3A_229 : i32 to index
        %get3A_239 = arith.constant 16 : index
        %get3A_240 = tpu.vector_load %arg7[%get3A_238, %get3A_239] {strides = array<i32>} : memref<80x128xf32, #tpu.memory_space<vmem>>, vector<16xf32>,
        %exp3A_241 = math.exp %get3A_240 : vector<16xf32>
        %add3A_242 = arith.addf %scan3A_211, %exp3A_241 : vector<16xf32>
        %mul3A_243 = arith.mulf %get3A_240, %exp3A_241 : vector<16xf32>
        %add3A_244 = arith.addf %scan3A_219, %mul3A_243 : vector<16xf32>
        %gt3A_245 = arith.cmpf ogt, %get3A_240, %scan3A_195 : vector<16xf32>
        %select_n3A_246 = arith.select %gt3A_245, %get3A_240, %scan3A_195 : vector<16xi1>, vector<16xf32>
        %select_n3A_247 = arith.select %gt3A_245, %broadcast_in_dim3A_231, %scan3A_203 : vector<16xi1>, vector<16xi32>
        %get3A_248 = arith.index_cast %add3A_229 : i32 to index
        %get3A_249 = arith.constant 32 : index
        %get3A_250 = tpu.vector_load %arg7[%get3A_248, %get3A_249] {strides = array<i32>} : memref<80x128xf32, #tpu.memory_space<vmem>>, vector<16xf32>,
        %exp3A_251 = math.exp %get3A_250 : vector<16xf32>
        %add3A_252 = arith.addf %scan3A_212, %exp3A_251 : vector<16xf32>
        %mul3A_253 = arith.mulf %get3A_250, %exp3A_251 : vector<16xf32>
        %add3A_254 = arith.addf %scan3A_220, %mul3A_253 : vector<16xf32>
        %gt3A_255 = arith.cmpf ogt, %get3A_250, %scan3A_196 : vector<16xf32>
        %select_n3A_256 = arith.select %gt3A_255, %get3A_250, %scan3A_196 : vector<16xi1>, vector<16xf32>
        %select_n3A_257 = arith.select %gt3A_255, %broadcast_in_dim3A_231, %scan3A_204 : vector<16xi1>, vector<16xi32>
        %get3A_258 = arith.index_cast %add3A_229 : i32 to index
        %get3A_259 = arith.constant 48 : index
        %get3A_260 = tpu.vector_load %arg7[%get3A_258, %get3A_259] {strides = array<i32>} : memref<80x128xf32, #tpu.memory_space<vmem>>, vector<16xf32>,
        %exp3A_261 = math.exp %get3A_260 : vector<16xf32>
        %add3A_262 = arith.addf %scan3A_213, %exp3A_261 : vector<16xf32>
        %mul3A_263 = arith.mulf %get3A_260, %exp3A_261 : vector<16xf32>
        %add3A_264 = arith.addf %scan3A_221, %mul3A_263 : vector<16xf32>
        %gt3A_265 = arith.cmpf ogt, %get3A_260, %scan3A_197 : vector<16xf32>
        %select_n3A_266 = arith.select %gt3A_265, %get3A_260, %scan3A_197 : vector<16xi1>, vector<16xf32>
        %select_n3A_267 = arith.select %gt3A_265, %broadcast_in_dim3A_231, %scan3A_205 : vector<16xi1>, vector<16xi32>
        %get3A_268 = arith.index_cast %add3A_229 : i32 to index
        %get3A_269 = arith.constant 64 : index
        %get3A_270 = tpu.vector_load %arg7[%get3A_268, %get3A_269] {strides = array<i32>} : memref<80x128xf32, #tpu.memory_space<vmem>>, vector<16xf32>,
        %exp3A_271 = math.exp %get3A_270 : vector<16xf32>
        %add3A_272 = arith.addf %scan3A_214, %exp3A_271 : vector<16xf32>
        %mul3A_273 = arith.mulf %get3A_270, %exp3A_271 : vector<16xf32>
        %add3A_274 = arith.addf %scan3A_222, %mul3A_273 : vector<16xf32>
        %gt3A_275 = arith.cmpf ogt, %get3A_270, %scan3A_198 : vector<16xf32>
        %select_n3A_276 = arith.select %gt3A_275, %get3A_270, %scan3A_198 : vector<16xi1>, vector<16xf32>
        %select_n3A_277 = arith.select %gt3A_275, %broadcast_in_dim3A_231, %scan3A_206 : vector<16xi1>, vector<16xi32>
        %get3A_278 = arith.index_cast %add3A_229 : i32 to index
        %get3A_279 = arith.constant 80 : index
        %get3A_280 = tpu.vector_load %arg7[%get3A_278, %get3A_279] {strides = array<i32>} : memref<80x128xf32, #tpu.memory_space<vmem>>, vector<16xf32>,
        %exp3A_281 = math.exp %get3A_280 : vector<16xf32>
        %add3A_282 = arith.addf %scan3A_215, %exp3A_281 : vector<16xf32>
        %mul3A_283 = arith.mulf %get3A_280, %exp3A_281 : vector<16xf32>
        %add3A_284 = arith.addf %scan3A_223, %mul3A_283 : vector<16xf32>
        %gt3A_285 = arith.cmpf ogt, %get3A_280, %scan3A_199 : vector<16xf32>
        %select_n3A_286 = arith.select %gt3A_285, %get3A_280, %scan3A_199 : vector<16xi1>, vector<16xf32>
        %select_n3A_287 = arith.select %gt3A_285, %broadcast_in_dim3A_231, %scan3A_207 : vector<16xi1>, vector<16xi32>
        %get3A_288 = arith.index_cast %add3A_229 : i32 to index
        %get3A_289 = arith.constant 96 : index
        %get3A_290 = tpu.vector_load %arg7[%get3A_288, %get3A_289] {strides = array<i32>} : memref<80x128xf32, #tpu.memory_space<vmem>>, vector<16xf32>,
        %exp3A_291 = math.exp %get3A_290 : vector<16xf32>
        %add3A_292 = arith.addf %scan3A_216, %exp3A_291 : vector<16xf32>
        %mul3A_293 = arith.mulf %get3A_290, %exp3A_291 : vector<16xf32>
        %add3A_294 = arith.addf %scan3A_224, %mul3A_293 : vector<16xf32>
        %gt3A_295 = arith.cmpf ogt, %get3A_290, %scan3A_200 : vector<16xf32>
        %select_n3A_296 = arith.select %gt3A_295, %get3A_290, %scan3A_200 : vector<16xi1>, vector<16xf32>
        %select_n3A_297 = arith.select %gt3A_295, %broadcast_in_dim3A_231, %scan3A_208 : vector<16xi1>, vector<16xi32>
        %get3A_298 = arith.index_cast %add3A_229 : i32 to index
        %get3A_299 = arith.constant 112 : index
        %get3A_300 = tpu.vector_load %arg7[%get3A_298, %get3A_299] {strides = array<i32>} : memref<80x128xf32, #tpu.memory_space<vmem>>, vector<16xf32>,
        %exp3A_301 = math.exp %get3A_300 : vector<16xf32>
        %add3A_302 = arith.addf %scan3A_217, %exp3A_301 : vector<16xf32>
        %mul3A_303 = arith.mulf %get3A_300, %exp3A_301 : vector<16xf32>
        %add3A_304 = arith.addf %scan3A_225, %mul3A_303 : vector<16xf32>
        %gt3A_305 = arith.cmpf ogt, %get3A_300, %scan3A_201 : vector<16xf32>
        %select_n3A_306 = arith.select %gt3A_305, %get3A_300, %scan3A_201 : vector<16xi1>, vector<16xf32>
        %select_n3A_307 = arith.select %gt3A_305, %broadcast_in_dim3A_231, %scan3A_209 : vector<16xi1>, vector<16xi32>
        %mul3A_308 = arith.constant 2 : i32
        %mul3A_309 = arith.muli %scan3A_193, %mul3A_308 : i32
        %add3A_310 = arith.constant 1 : i32
        %add3A_311 = arith.addi %mul3A_309, %add3A_310 : i32
        %add3A_312 = arith.addi %mul3A_187, %add3A_311 : i32
        %broadcast_in_dim3A_313 = vector.broadcast %add3A_312 : i32 to vector<16xi32>
        %get3A_314 = arith.index_cast %add3A_311 : i32 to index
        %get3A_315 = arith.constant 0 : index
        %get3A_316 = tpu.vector_load %arg7[%get3A_314, %get3A_315] {strides = array<i32>} : memref<80x128xf32, #tpu.memory_space<vmem>>, vector<16xf32>,
        %exp3A_317 = math.exp %get3A_316 : vector<16xf32>
        %add3A_318 = arith.addf %add3A_234, %exp3A_317 : vector<16xf32>
        %mul3A_319 = arith.mulf %get3A_316, %exp3A_317 : vector<16xf32>
        %add3A_320 = arith.addf %add3A_236, %mul3A_319 : vector<16xf32>
        %gt3A_321 = arith.cmpf ogt, %get3A_316, %select_n3A : vector<16xf32>
        %select_n3A_322 = arith.select %gt3A_321, %get3A_316, %select_n3A : vector<16xi1>, vector<16xf32>
        %select_n3A_323 = arith.select %gt3A_321, %broadcast_in_dim3A_313, %select_n3A_237 : vector<16xi1>, vector<16xi32>
        %get3A_324 = arith.index_cast %add3A_311 : i32 to index
        %get3A_325 = arith.constant 16 : index
        %get3A_326 = tpu.vector_load %arg7[%get3A_324, %get3A_325] {strides = array<i32>} : memref<80x128xf32, #tpu.memory_space<vmem>>, vector<16xf32>,
        %exp3A_327 = math.exp %get3A_326 : vector<16xf32>
        %add3A_328 = arith.addf %add3A_242, %exp3A_327 : vector<16xf32>
        %mul3A_329 = arith.mulf %get3A_326, %exp3A_327 : vector<16xf32>
        %add3A_330 = arith.addf %add3A_244, %mul3A_329 : vector<16xf32>
        %gt3A_331 = arith.cmpf ogt, %get3A_326, %select_n3A_246 : vector<16xf32>
        %select_n3A_332 = arith.select %gt3A_331, %get3A_326, %select_n3A_246 : vector<16xi1>, vector<16xf32>
        %select_n3A_333 = arith.select %gt3A_331, %broadcast_in_dim3A_313, %select_n3A_247 : vector<16xi1>, vector<16xi32>
        %get3A_334 = arith.index_cast %add3A_311 : i32 to index
        %get3A_335 = arith.constant 32 : index
        %get3A_336 = tpu.vector_load %arg7[%get3A_334, %get3A_335] {strides = array<i32>} : memref<80x128xf32, #tpu.memory_space<vmem>>, vector<16xf32>,
        %exp3A_337 = math.exp %get3A_336 : vector<16xf32>
        %add3A_338 = arith.addf %add3A_252, %exp3A_337 : vector<16xf32>
        %mul3A_339 = arith.mulf %get3A_336, %exp3A_337 : vector<16xf32>
        %add3A_340 = arith.addf %add3A_254, %mul3A_339 : vector<16xf32>
        %gt3A_341 = arith.cmpf ogt, %get3A_336, %select_n3A_256 : vector<16xf32>
        %select_n3A_342 = arith.select %gt3A_341, %get3A_336, %select_n3A_256 : vector<16xi1>, vector<16xf32>
        %select_n3A_343 = arith.select %gt3A_341, %broadcast_in_dim3A_313, %select_n3A_257 : vector<16xi1>, vector<16xi32>
        %get3A_344 = arith.index_cast %add3A_311 : i32 to index
        %get3A_345 = arith.constant 48 : index
        %get3A_346 = tpu.vector_load %arg7[%get3A_344, %get3A_345] {strides = array<i32>} : memref<80x128xf32, #tpu.memory_space<vmem>>, vector<16xf32>,
        %exp3A_347 = math.exp %get3A_346 : vector<16xf32>
        %add3A_348 = arith.addf %add3A_262, %exp3A_347 : vector<16xf32>
        %mul3A_349 = arith.mulf %get3A_346, %exp3A_347 : vector<16xf32>
        %add3A_350 = arith.addf %add3A_264, %mul3A_349 : vector<16xf32>
        %gt3A_351 = arith.cmpf ogt, %get3A_346, %select_n3A_266 : vector<16xf32>
        %select_n3A_352 = arith.select %gt3A_351, %get3A_346, %select_n3A_266 : vector<16xi1>, vector<16xf32>
        %select_n3A_353 = arith.select %gt3A_351, %broadcast_in_dim3A_313, %select_n3A_267 : vector<16xi1>, vector<16xi32>
        %get3A_354 = arith.index_cast %add3A_311 : i32 to index
        %get3A_355 = arith.constant 64 : index
        %get3A_356 = tpu.vector_load %arg7[%get3A_354, %get3A_355] {strides = array<i32>} : memref<80x128xf32, #tpu.memory_space<vmem>>, vector<16xf32>,
        %exp3A_357 = math.exp %get3A_356 : vector<16xf32>
        %add3A_358 = arith.addf %add3A_272, %exp3A_357 : vector<16xf32>
        %mul3A_359 = arith.mulf %get3A_356, %exp3A_357 : vector<16xf32>
        %add3A_360 = arith.addf %add3A_274, %mul3A_359 : vector<16xf32>
        %gt3A_361 = arith.cmpf ogt, %get3A_356, %select_n3A_276 : vector<16xf32>
        %select_n3A_362 = arith.select %gt3A_361, %get3A_356, %select_n3A_276 : vector<16xi1>, vector<16xf32>
        %select_n3A_363 = arith.select %gt3A_361, %broadcast_in_dim3A_313, %select_n3A_277 : vector<16xi1>, vector<16xi32>
        %get3A_364 = arith.index_cast %add3A_311 : i32 to index
        %get3A_365 = arith.constant 80 : index
        %get3A_366 = tpu.vector_load %arg7[%get3A_364, %get3A_365] {strides = array<i32>} : memref<80x128xf32, #tpu.memory_space<vmem>>, vector<16xf32>,
        %exp3A_367 = math.exp %get3A_366 : vector<16xf32>
        %add3A_368 = arith.addf %add3A_282, %exp3A_367 : vector<16xf32>
        %mul3A_369 = arith.mulf %get3A_366, %exp3A_367 : vector<16xf32>
        %add3A_370 = arith.addf %add3A_284, %mul3A_369 : vector<16xf32>
        %gt3A_371 = arith.cmpf ogt, %get3A_366, %select_n3A_286 : vector<16xf32>
        %select_n3A_372 = arith.select %gt3A_371, %get3A_366, %select_n3A_286 : vector<16xi1>, vector<16xf32>
        %select_n3A_373 = arith.select %gt3A_371, %broadcast_in_dim3A_313, %select_n3A_287 : vector<16xi1>, vector<16xi32>
        %get3A_374 = arith.index_cast %add3A_311 : i32 to index
        %get3A_375 = arith.constant 96 : index
        %get3A_376 = tpu.vector_load %arg7[%get3A_374, %get3A_375] {strides = array<i32>} : memref<80x128xf32, #tpu.memory_space<vmem>>, vector<16xf32>,
        %exp3A_377 = math.exp %get3A_376 : vector<16xf32>
        %add3A_378 = arith.addf %add3A_292, %exp3A_377 : vector<16xf32>
        %mul3A_379 = arith.mulf %get3A_376, %exp3A_377 : vector<16xf32>
        %add3A_380 = arith.addf %add3A_294, %mul3A_379 : vector<16xf32>
        %gt3A_381 = arith.cmpf ogt, %get3A_376, %select_n3A_296 : vector<16xf32>
        %select_n3A_382 = arith.select %gt3A_381, %get3A_376, %select_n3A_296 : vector<16xi1>, vector<16xf32>
        %select_n3A_383 = arith.select %gt3A_381, %broadcast_in_dim3A_313, %select_n3A_297 : vector<16xi1>, vector<16xi32>
        %get3A_384 = arith.index_cast %add3A_311 : i32 to index
        %get3A_385 = arith.constant 112 : index
        %get3A_386 = tpu.vector_load %arg7[%get3A_384, %get3A_385] {strides = array<i32>} : memref<80x128xf32, #tpu.memory_space<vmem>>, vector<16xf32>,
        %exp3A_387 = math.exp %get3A_386 : vector<16xf32>
        %add3A_388 = arith.addf %add3A_302, %exp3A_387 : vector<16xf32>
        %mul3A_389 = arith.mulf %get3A_386, %exp3A_387 : vector<16xf32>
        %add3A_390 = arith.addf %add3A_304, %mul3A_389 : vector<16xf32>
        %gt3A_391 = arith.cmpf ogt, %get3A_386, %select_n3A_306 : vector<16xf32>
        %select_n3A_392 = arith.select %gt3A_391, %get3A_386, %select_n3A_306 : vector<16xi1>, vector<16xf32>
        %select_n3A_393 = arith.select %gt3A_391, %broadcast_in_dim3A_313, %select_n3A_307 : vector<16xi1>, vector<16xi32>
        scf.yield %select_n3A_322, %select_n3A_332, %select_n3A_342, %select_n3A_352, %select_n3A_362, %select_n3A_372, %select_n3A_382, %select_n3A_392, %select_n3A_323, %select_n3A_333, %select_n3A_343, %select_n3A_353, %select_n3A_363, %select_n3A_373, %select_n3A_383, %select_n3A_393, %add3A_318, %add3A_328, %add3A_338, %add3A_348, %add3A_358, %add3A_368, %add3A_378, %add3A_388, %add3A_320, %add3A_330, %add3A_340, %add3A_350, %add3A_360, %add3A_370, %add3A_380, %add3A_390 : vector<16xf32>, vector<16xf32>, vector<16xf32>, vector<16xf32>, vector<16xf32>, vector<16xf32>, vector<16xf32>, vector<16xf32>, vector<16xi32>, vector<16xi32>, vector<16xi32>, vector<16xi32>, vector<16xi32>, vector<16xi32>, vector<16xi32>, vector<16xi32>, vector<16xf32>, vector<16xf32>, vector<16xf32>, vector<16xf32>, vector<16xf32>, vector<16xf32>, vector<16xf32>, vector<16xf32>, vector<16xf32>, vector<16xf32>, vector<16xf32>, vector<16xf32>, vector<16xf32>, vector<16xf32>, vector<16xf32>, vector<16xf32>
      }
      %scan3A_192 = arith.constant 40 : i32
      scf.yield %scan3A_191#0, %scan3A_191#1, %scan3A_191#2, %scan3A_191#3, %scan3A_191#4, %scan3A_191#5, %scan3A_191#6, %scan3A_191#7, %scan3A_191#8, %scan3A_191#9, %scan3A_191#10, %scan3A_191#11, %scan3A_191#12, %scan3A_191#13, %scan3A_191#14, %scan3A_191#15, %scan3A_191#16, %scan3A_191#17, %scan3A_191#18, %scan3A_191#19, %scan3A_191#20, %scan3A_191#21, %scan3A_191#22, %scan3A_191#23, %scan3A_191#24, %scan3A_191#25, %scan3A_191#26, %scan3A_191#27, %scan3A_191#28, %scan3A_191#29, %scan3A_191#30, %scan3A_191#31 : vector<16xf32>, vector<16xf32>, vector<16xf32>, vector<16xf32>, vector<16xf32>, vector<16xf32>, vector<16xf32>, vector<16xf32>, vector<16xi32>, vector<16xi32>, vector<16xi32>, vector<16xi32>, vector<16xi32>, vector<16xi32>, vector<16xi32>, vector<16xi32>, vector<16xf32>, vector<16xf32>, vector<16xf32>, vector<16xf32>, vector<16xf32>, vector<16xf32>, vector<16xf32>, vector<16xf32>, vector<16xf32>, vector<16xf32>, vector<16xf32>, vector<16xf32>, vector<16xf32>, vector<16xf32>, vector<16xf32>, vector<16xf32>
    } else {
      scf.yield %while3A_100#0, %while3A_100#1, %while3A_100#2, %while3A_100#3, %while3A_100#4, %while3A_100#5, %while3A_100#6, %while3A_100#7, %while3A_100#8, %while3A_100#9, %while3A_100#10, %while3A_100#11, %while3A_100#12, %while3A_100#13, %while3A_100#14, %while3A_100#15, %while3A_100#16, %while3A_100#17, %while3A_100#18, %while3A_100#19, %while3A_100#20, %while3A_100#21, %while3A_100#22, %while3A_100#23, %while3A_100#24, %while3A_100#25, %while3A_100#26, %while3A_100#27, %while3A_100#28, %while3A_100#29, %while3A_100#30, %while3A_100#31 : vector<16xf32>, vector<16xf32>, vector<16xf32>, vector<16xf32>, vector<16xf32>, vector<16xf32>, vector<16xf32>, vector<16xf32>, vector<16xi32>, vector<16xi32>, vector<16xi32>, vector<16xi32>, vector<16xi32>, vector<16xi32>, vector<16xi32>, vector<16xi32>, vector<16xf32>, vector<16xf32>, vector<16xf32>, vector<16xf32>, vector<16xf32>, vector<16xf32>, vector<16xf32>, vector<16xf32>, vector<16xf32>, vector<16xf32>, vector<16xf32>, vector<16xf32>, vector<16xf32>, vector<16xf32>, vector<16xf32>, vector<16xf32>
    }
    %dma_wait3A_111 = arith.constant 0 : i32
    %dma_wait3A_112 = arith.constant 0 : i32
    %dma_wait3A_113 = tpu.memref_slice %arg2[%dma_wait3A_111, %dma_wait3A_112] : memref<100000x128xf32, #tpu.memory_space<hbm>> -> memref<80x128xf32, #tpu.memory_space<hbm>>
    %dma_wait3A_114 = arith.constant 0 : i32
    %dma_wait3A_115 = arith.constant 0 : i32
    %dma_wait3A_116 = tpu.memref_slice %arg2[%dma_wait3A_114, %dma_wait3A_115] : memref<100000x128xf32, #tpu.memory_space<hbm>> -> memref<80x128xf32, #tpu.memory_space<hbm>>
    tpu.wait_dma2 semaphore(%arg14 : memref<!tpu.dma_semaphore, #tpu.memory_space<semaphore_mem>>) src(%dma_wait3A_116 : memref<80x128xf32, #tpu.memory_space<hbm>>) dst(%arg8 : memref<80x128xf32, #tpu.memory_space<vmem>>)
    %swap3A = arith.constant 0 : index
    %swap3A_117 = tpu.vector_load %arg9[%swap3A] {strides = array<i32>} : memref<128xf32, #tpu.memory_space<vmem>>, vector<16xf32>,
    tpu.vector_store %arg9[%swap3A], %cond3A_110#0 {strides = array<i32>} : memref<128xf32, #tpu.memory_space<vmem>>, vector<16xf32>,
    %swap3A_118 = arith.constant 0 : index
    %swap3A_119 = tpu.vector_load %arg10[%swap3A_118] {strides = array<i32>} : memref<128xi32, #tpu.memory_space<vmem>>, vector<16xi32>,
    tpu.vector_store %arg10[%swap3A_118], %cond3A_110#8 {strides = array<i32>} : memref<128xi32, #tpu.memory_space<vmem>>, vector<16xi32>,
    %swap3A_120 = arith.constant 0 : index
    %swap3A_121 = tpu.vector_load %arg11[%swap3A_120] {strides = array<i32>} : memref<128xf32, #tpu.memory_space<vmem>>, vector<16xf32>,
    tpu.vector_store %arg11[%swap3A_120], %cond3A_110#16 {strides = array<i32>} : memref<128xf32, #tpu.memory_space<vmem>>, vector<16xf32>,
    %swap3A_122 = arith.constant 0 : index
    %swap3A_123 = tpu.vector_load %arg12[%swap3A_122] {strides = array<i32>} : memref<128xf32, #tpu.memory_space<vmem>>, vector<16xf32>,
    tpu.vector_store %arg12[%swap3A_122], %cond3A_110#24 {strides = array<i32>} : memref<128xf32, #tpu.memory_space<vmem>>, vector<16xf32>,
    %swap3A_124 = arith.constant 16 : index
    %swap3A_125 = tpu.vector_load %arg9[%swap3A_124] {strides = array<i32>} : memref<128xf32, #tpu.memory_space<vmem>>, vector<16xf32>,
    tpu.vector_store %arg9[%swap3A_124], %cond3A_110#1 {strides = array<i32>} : memref<128xf32, #tpu.memory_space<vmem>>, vector<16xf32>,
    %swap3A_126 = arith.constant 16 : index
    %swap3A_127 = tpu.vector_load %arg10[%swap3A_126] {strides = array<i32>} : memref<128xi32, #tpu.memory_space<vmem>>, vector<16xi32>,
    tpu.vector_store %arg10[%swap3A_126], %cond3A_110#9 {strides = array<i32>} : memref<128xi32, #tpu.memory_space<vmem>>, vector<16xi32>,
    %swap3A_128 = arith.constant 16 : index
    %swap3A_129 = tpu.vector_load %arg11[%swap3A_128] {strides = array<i32>} : memref<128xf32, #tpu.memory_space<vmem>>, vector<16xf32>,
    tpu.vector_store %arg11[%swap3A_128], %cond3A_110#17 {strides = array<i32>} : memref<128xf32, #tpu.memory_space<vmem>>, vector<16xf32>,
    %swap3A_130 = arith.constant 16 : index
    %swap3A_131 = tpu.vector_load %arg12[%swap3A_130] {strides = array<i32>} : memref<128xf32, #tpu.memory_space<vmem>>, vector<16xf32>,
    tpu.vector_store %arg12[%swap3A_130], %cond3A_110#25 {strides = array<i32>} : memref<128xf32, #tpu.memory_space<vmem>>, vector<16xf32>,
    %swap3A_132 = arith.constant 32 : index
    %swap3A_133 = tpu.vector_load %arg9[%swap3A_132] {strides = array<i32>} : memref<128xf32, #tpu.memory_space<vmem>>, vector<16xf32>,
    tpu.vector_store %arg9[%swap3A_132], %cond3A_110#2 {strides = array<i32>} : memref<128xf32, #tpu.memory_space<vmem>>, vector<16xf32>,
    %swap3A_134 = arith.constant 32 : index
    %swap3A_135 = tpu.vector_load %arg10[%swap3A_134] {strides = array<i32>} : memref<128xi32, #tpu.memory_space<vmem>>, vector<16xi32>,
    tpu.vector_store %arg10[%swap3A_134], %cond3A_110#10 {strides = array<i32>} : memref<128xi32, #tpu.memory_space<vmem>>, vector<16xi32>,
    %swap3A_136 = arith.constant 32 : index
    %swap3A_137 = tpu.vector_load %arg11[%swap3A_136] {strides = array<i32>} : memref<128xf32, #tpu.memory_space<vmem>>, vector<16xf32>,
    tpu.vector_store %arg11[%swap3A_136], %cond3A_110#18 {strides = array<i32>} : memref<128xf32, #tpu.memory_space<vmem>>, vector<16xf32>,
    %swap3A_138 = arith.constant 32 : index
    %swap3A_139 = tpu.vector_load %arg12[%swap3A_138] {strides = array<i32>} : memref<128xf32, #tpu.memory_space<vmem>>, vector<16xf32>,
    tpu.vector_store %arg12[%swap3A_138], %cond3A_110#26 {strides = array<i32>} : memref<128xf32, #tpu.memory_space<vmem>>, vector<16xf32>,
    %swap3A_140 = arith.constant 48 : index
    %swap3A_141 = tpu.vector_load %arg9[%swap3A_140] {strides = array<i32>} : memref<128xf32, #tpu.memory_space<vmem>>, vector<16xf32>,
    tpu.vector_store %arg9[%swap3A_140], %cond3A_110#3 {strides = array<i32>} : memref<128xf32, #tpu.memory_space<vmem>>, vector<16xf32>,
    %swap3A_142 = arith.constant 48 : index
    %swap3A_143 = tpu.vector_load %arg10[%swap3A_142] {strides = array<i32>} : memref<128xi32, #tpu.memory_space<vmem>>, vector<16xi32>,
    tpu.vector_store %arg10[%swap3A_142], %cond3A_110#11 {strides = array<i32>} : memref<128xi32, #tpu.memory_space<vmem>>, vector<16xi32>,
    %swap3A_144 = arith.constant 48 : index
    %swap3A_145 = tpu.vector_load %arg11[%swap3A_144] {strides = array<i32>} : memref<128xf32, #tpu.memory_space<vmem>>, vector<16xf32>,
    tpu.vector_store %arg11[%swap3A_144], %cond3A_110#19 {strides = array<i32>} : memref<128xf32, #tpu.memory_space<vmem>>, vector<16xf32>,
    %swap3A_146 = arith.constant 48 : index
    %swap3A_147 = tpu.vector_load %arg12[%swap3A_146] {strides = array<i32>} : memref<128xf32, #tpu.memory_space<vmem>>, vector<16xf32>,
    tpu.vector_store %arg12[%swap3A_146], %cond3A_110#27 {strides = array<i32>} : memref<128xf32, #tpu.memory_space<vmem>>, vector<16xf32>,
    %swap3A_148 = arith.constant 64 : index
    %swap3A_149 = tpu.vector_load %arg9[%swap3A_148] {strides = array<i32>} : memref<128xf32, #tpu.memory_space<vmem>>, vector<16xf32>,
    tpu.vector_store %arg9[%swap3A_148], %cond3A_110#4 {strides = array<i32>} : memref<128xf32, #tpu.memory_space<vmem>>, vector<16xf32>,
    %swap3A_150 = arith.constant 64 : index
    %swap3A_151 = tpu.vector_load %arg10[%swap3A_150] {strides = array<i32>} : memref<128xi32, #tpu.memory_space<vmem>>, vector<16xi32>,
    tpu.vector_store %arg10[%swap3A_150], %cond3A_110#12 {strides = array<i32>} : memref<128xi32, #tpu.memory_space<vmem>>, vector<16xi32>,
    %swap3A_152 = arith.constant 64 : index
    %swap3A_153 = tpu.vector_load %arg11[%swap3A_152] {strides = array<i32>} : memref<128xf32, #tpu.memory_space<vmem>>, vector<16xf32>,
    tpu.vector_store %arg11[%swap3A_152], %cond3A_110#20 {strides = array<i32>} : memref<128xf32, #tpu.memory_space<vmem>>, vector<16xf32>,
    %swap3A_154 = arith.constant 64 : index
    %swap3A_155 = tpu.vector_load %arg12[%swap3A_154] {strides = array<i32>} : memref<128xf32, #tpu.memory_space<vmem>>, vector<16xf32>,
    tpu.vector_store %arg12[%swap3A_154], %cond3A_110#28 {strides = array<i32>} : memref<128xf32, #tpu.memory_space<vmem>>, vector<16xf32>,
    %swap3A_156 = arith.constant 80 : index
    %swap3A_157 = tpu.vector_load %arg9[%swap3A_156] {strides = array<i32>} : memref<128xf32, #tpu.memory_space<vmem>>, vector<16xf32>,
    tpu.vector_store %arg9[%swap3A_156], %cond3A_110#5 {strides = array<i32>} : memref<128xf32, #tpu.memory_space<vmem>>, vector<16xf32>,
    %swap3A_158 = arith.constant 80 : index
    %swap3A_159 = tpu.vector_load %arg10[%swap3A_158] {strides = array<i32>} : memref<128xi32, #tpu.memory_space<vmem>>, vector<16xi32>,
    tpu.vector_store %arg10[%swap3A_158], %cond3A_110#13 {strides = array<i32>} : memref<128xi32, #tpu.memory_space<vmem>>, vector<16xi32>,
    %swap3A_160 = arith.constant 80 : index
    %swap3A_161 = tpu.vector_load %arg11[%swap3A_160] {strides = array<i32>} : memref<128xf32, #tpu.memory_space<vmem>>, vector<16xf32>,
    tpu.vector_store %arg11[%swap3A_160], %cond3A_110#21 {strides = array<i32>} : memref<128xf32, #tpu.memory_space<vmem>>, vector<16xf32>,
    %swap3A_162 = arith.constant 80 : index
    %swap3A_163 = tpu.vector_load %arg12[%swap3A_162] {strides = array<i32>} : memref<128xf32, #tpu.memory_space<vmem>>, vector<16xf32>,
    tpu.vector_store %arg12[%swap3A_162], %cond3A_110#29 {strides = array<i32>} : memref<128xf32, #tpu.memory_space<vmem>>, vector<16xf32>,
    %swap3A_164 = arith.constant 96 : index
    %swap3A_165 = tpu.vector_load %arg9[%swap3A_164] {strides = array<i32>} : memref<128xf32, #tpu.memory_space<vmem>>, vector<16xf32>,
    tpu.vector_store %arg9[%swap3A_164], %cond3A_110#6 {strides = array<i32>} : memref<128xf32, #tpu.memory_space<vmem>>, vector<16xf32>,
    %swap3A_166 = arith.constant 96 : index
    %swap3A_167 = tpu.vector_load %arg10[%swap3A_166] {strides = array<i32>} : memref<128xi32, #tpu.memory_space<vmem>>, vector<16xi32>,
    tpu.vector_store %arg10[%swap3A_166], %cond3A_110#14 {strides = array<i32>} : memref<128xi32, #tpu.memory_space<vmem>>, vector<16xi32>,
    %swap3A_168 = arith.constant 96 : index
    %swap3A_169 = tpu.vector_load %arg11[%swap3A_168] {strides = array<i32>} : memref<128xf32, #tpu.memory_space<vmem>>, vector<16xf32>,
    tpu.vector_store %arg11[%swap3A_168], %cond3A_110#22 {strides = array<i32>} : memref<128xf32, #tpu.memory_space<vmem>>, vector<16xf32>,
    %swap3A_170 = arith.constant 96 : index
    %swap3A_171 = tpu.vector_load %arg12[%swap3A_170] {strides = array<i32>} : memref<128xf32, #tpu.memory_space<vmem>>, vector<16xf32>,
    tpu.vector_store %arg12[%swap3A_170], %cond3A_110#30 {strides = array<i32>} : memref<128xf32, #tpu.memory_space<vmem>>, vector<16xf32>,
    %swap3A_172 = arith.constant 112 : index
    %swap3A_173 = tpu.vector_load %arg9[%swap3A_172] {strides = array<i32>} : memref<128xf32, #tpu.memory_space<vmem>>, vector<16xf32>,
    tpu.vector_store %arg9[%swap3A_172], %cond3A_110#7 {strides = array<i32>} : memref<128xf32, #tpu.memory_space<vmem>>, vector<16xf32>,
    %swap3A_174 = arith.constant 112 : index
    %swap3A_175 = tpu.vector_load %arg10[%swap3A_174] {strides = array<i32>} : memref<128xi32, #tpu.memory_space<vmem>>, vector<16xi32>,
    tpu.vector_store %arg10[%swap3A_174], %cond3A_110#15 {strides = array<i32>} : memref<128xi32, #tpu.memory_space<vmem>>, vector<16xi32>,
    %swap3A_176 = arith.constant 112 : index
    %swap3A_177 = tpu.vector_load %arg11[%swap3A_176] {strides = array<i32>} : memref<128xf32, #tpu.memory_space<vmem>>, vector<16xf32>,
    tpu.vector_store %arg11[%swap3A_176], %cond3A_110#23 {strides = array<i32>} : memref<128xf32, #tpu.memory_space<vmem>>, vector<16xf32>,
    %swap3A_178 = arith.constant 112 : index
    %swap3A_179 = tpu.vector_load %arg12[%swap3A_178] {strides = array<i32>} : memref<128xf32, #tpu.memory_space<vmem>>, vector<16xf32>,
    tpu.vector_store %arg12[%swap3A_178], %cond3A_110#31 {strides = array<i32>} : memref<128xf32, #tpu.memory_space<vmem>>, vector<16xf32>,
    %mul3A_180 = arith.constant 128 : i32
    %mul3A_181 = arith.muli %add3A, %mul3A_180 : i32
    %multiple_of3A_182 = tpu.assume_multiple %mul3A_181, 8 : i32
    "tpu.region"() ({
      %run_scoped3A = tpu.sem_alloc : memref<!tpu.dma_semaphore, #tpu.memory_space<semaphore_mem>>
      %dma_start3A_183 = tpu.memref_slice %arg3[%multiple_of3A_182] : memref<4096xf32, #tpu.memory_space<hbm>> -> memref<128xf32, #tpu.memory_space<hbm>>
      %dma_start3A_184 = tpu.memref_slice %arg3[%multiple_of3A_182] : memref<4096xf32, #tpu.memory_space<hbm>> -> memref<128xf32, #tpu.memory_space<hbm>>
      tpu.enqueue_dma source(%arg9 : memref<128xf32, #tpu.memory_space<vmem>>) target(%dma_start3A_184 : memref<128xf32, #tpu.memory_space<hbm>>) target_semaphore(%run_scoped3A : memref<!tpu.dma_semaphore, #tpu.memory_space<semaphore_mem>>)
      %dma_wait3A_185 = tpu.memref_slice %arg3[%multiple_of3A_182] : memref<4096xf32, #tpu.memory_space<hbm>> -> memref<128xf32, #tpu.memory_space<hbm>>
      %dma_wait3A_186 = tpu.memref_slice %arg3[%multiple_of3A_182] : memref<4096xf32, #tpu.memory_space<hbm>> -> memref<128xf32, #tpu.memory_space<hbm>>
      tpu.wait_dma2 semaphore(%run_scoped3A : memref<!tpu.dma_semaphore, #tpu.memory_space<semaphore_mem>>) src(%arg9 : memref<128xf32, #tpu.memory_space<vmem>>) dst(%dma_wait3A_186 : memref<128xf32, #tpu.memory_space<hbm>>)
      tpu.yield
    }) : () -> ()
    "tpu.region"() ({
      %run_scoped3A = tpu.sem_alloc : memref<!tpu.dma_semaphore, #tpu.memory_space<semaphore_mem>>
      %dma_start3A_183 = tpu.memref_slice %arg4[%multiple_of3A_182] : memref<4096xi32, #tpu.memory_space<hbm>> -> memref<128xi32, #tpu.memory_space<hbm>>
      %dma_start3A_184 = tpu.memref_slice %arg4[%multiple_of3A_182] : memref<4096xi32, #tpu.memory_space<hbm>> -> memref<128xi32, #tpu.memory_space<hbm>>
      tpu.enqueue_dma source(%arg10 : memref<128xi32, #tpu.memory_space<vmem>>) target(%dma_start3A_184 : memref<128xi32, #tpu.memory_space<hbm>>) target_semaphore(%run_scoped3A : memref<!tpu.dma_semaphore, #tpu.memory_space<semaphore_mem>>)
      %dma_wait3A_185 = tpu.memref_slice %arg4[%multiple_of3A_182] : memref<4096xi32, #tpu.memory_space<hbm>> -> memref<128xi32, #tpu.memory_space<hbm>>
      %dma_wait3A_186 = tpu.memref_slice %arg4[%multiple_of3A_182] : memref<4096xi32, #tpu.memory_space<hbm>> -> memref<128xi32, #tpu.memory_space<hbm>>
      tpu.wait_dma2 semaphore(%run_scoped3A : memref<!tpu.dma_semaphore, #tpu.memory_space<semaphore_mem>>) src(%arg10 : memref<128xi32, #tpu.memory_space<vmem>>) dst(%dma_wait3A_186 : memref<128xi32, #tpu.memory_space<hbm>>)
      tpu.yield
    }) : () -> ()
    "tpu.region"() ({
      %run_scoped3A = tpu.sem_alloc : memref<!tpu.dma_semaphore, #tpu.memory_space<semaphore_mem>>
      %dma_start3A_183 = tpu.memref_slice %arg5[%multiple_of3A_182] : memref<4096xf32, #tpu.memory_space<hbm>> -> memref<128xf32, #tpu.memory_space<hbm>>
      %dma_start3A_184 = tpu.memref_slice %arg5[%multiple_of3A_182] : memref<4096xf32, #tpu.memory_space<hbm>> -> memref<128xf32, #tpu.memory_space<hbm>>
      tpu.enqueue_dma source(%arg11 : memref<128xf32, #tpu.memory_space<vmem>>) target(%dma_start3A_184 : memref<128xf32, #tpu.memory_space<hbm>>) target_semaphore(%run_scoped3A : memref<!tpu.dma_semaphore, #tpu.memory_space<semaphore_mem>>)
      %dma_wait3A_185 = tpu.memref_slice %arg5[%multiple_of3A_182] : memref<4096xf32, #tpu.memory_space<hbm>> -> memref<128xf32, #tpu.memory_space<hbm>>
      %dma_wait3A_186 = tpu.memref_slice %arg5[%multiple_of3A_182] : memref<4096xf32, #tpu.memory_space<hbm>> -> memref<128xf32, #tpu.memory_space<hbm>>
      tpu.wait_dma2 semaphore(%run_scoped3A : memref<!tpu.dma_semaphore, #tpu.memory_space<semaphore_mem>>) src(%arg11 : memref<128xf32, #tpu.memory_space<vmem>>) dst(%dma_wait3A_186 : memref<128xf32, #tpu.memory_space<hbm>>)
      tpu.yield
    }) : () -> ()
    "tpu.region"() ({
      %run_scoped3A = tpu.sem_alloc : memref<!tpu.dma_semaphore, #tpu.memory_space<semaphore_mem>>
      %dma_start3A_183 = tpu.memref_slice %arg6[%multiple_of3A_182] : memref<4096xf32, #tpu.memory_space<hbm>> -> memref<128xf32, #tpu.memory_space<hbm>>
      %dma_start3A_184 = tpu.memref_slice %arg6[%multiple_of3A_182] : memref<4096xf32, #tpu.memory_space<hbm>> -> memref<128xf32, #tpu.memory_space<hbm>>
      tpu.enqueue_dma source(%arg12 : memref<128xf32, #tpu.memory_space<vmem>>) target(%dma_start3A_184 : memref<128xf32, #tpu.memory_space<hbm>>) target_semaphore(%run_scoped3A : memref<!tpu.dma_semaphore, #tpu.memory_space<semaphore_mem>>)
      %dma_wait3A_185 = tpu.memref_slice %arg6[%multiple_of3A_182] : memref<4096xf32, #tpu.memory_space<hbm>> -> memref<128xf32, #tpu.memory_space<hbm>>
      %dma_wait3A_186 = tpu.memref_slice %arg6[%multiple_of3A_182] : memref<4096xf32, #tpu.memory_space<hbm>> -> memref<128xf32, #tpu.memory_space<hbm>>
      tpu.wait_dma2 semaphore(%run_scoped3A : memref<!tpu.dma_semaphore, #tpu.memory_space<semaphore_mem>>) src(%arg12 : memref<128xf32, #tpu.memory_space<vmem>>) dst(%dma_wait3A_186 : memref<128xf32, #tpu.memory_space<hbm>>)
      tpu.yield
    }) : () -> ()
    return
  }
}

module attributes {stable_mosaic.version = 14 : i64} {
  func.func @tc_kernel(%arg0: i32, %arg1: memref<2000x128xf32, #tpu.memory_space<vmem>>, %arg2: memref<8x128xf32, #tpu.memory_space<vmem>>, %arg3: memref<8x128xi32, #tpu.memory_space<vmem>>, %arg4: memref<8x128xf32, #tpu.memory_space<vmem>>, %arg5: memref<8x128xf32, #tpu.memory_space<vmem>>, %arg6: memref<8x128xf32, #tpu.memory_space<vmem>>, %arg7: memref<8x128xi32, #tpu.memory_space<vmem>>, %arg8: memref<8x128xf32, #tpu.memory_space<vmem>>, %arg9: memref<8x128xf32, #tpu.memory_space<vmem>>) attributes {dimension_semantics = [#tpu.dimension_semantics<arbitrary>], iteration_bounds = array<i64: 24>, scalar_prefetch = 0 : i64, scratch_operands = 4 : i64, tpu.core_type = #tpu.core_type<tc>, window_params = [{transform_indices = @transform_0, window_bounds = array<i64: 2000, 128>}, {pipeline_mode = #tpu.pipeline_mode<synchronous>, transform_indices = @transform_1, window_bounds = array<i64: 8, 128>}, {pipeline_mode = #tpu.pipeline_mode<synchronous>, transform_indices = @transform_2, window_bounds = array<i64: 8, 128>}, {pipeline_mode = #tpu.pipeline_mode<synchronous>, transform_indices = @transform_3, window_bounds = array<i64: 8, 128>}, {pipeline_mode = #tpu.pipeline_mode<synchronous>, transform_indices = @transform_4, window_bounds = array<i64: 8, 128>}]} {
    %eq3A = arith.constant 0 : i32
    %eq3A_0 = arith.cmpi eq, %arg0, %eq3A : i32
    %convert_element_type3A = arith.extui %eq3A_0 : i1 to i32
    %cond3A = arith.constant 0 : i32
    %cond3A_1 = arith.cmpi ne, %convert_element_type3A, %cond3A : i32
    scf.if %cond3A_1 {
      %broadcast_in_dim3A_54 = arith.constant -3.000000e+38 : f32
      %broadcast_in_dim3A_55 = vector.broadcast %broadcast_in_dim3A_54 : f32 to vector<8x128xf32>
      %swap3A_56 = arith.constant 0 : index
      %swap3A_57 = arith.constant 0 : index
      %swap3A_58 = vector.load %arg6[%swap3A_56, %swap3A_57] : memref<8x128xf32, #tpu.memory_space<vmem>>, vector<8x128xf32>
      tpu.vector_store %arg6[%swap3A_56, %swap3A_57], %broadcast_in_dim3A_55 {strides = array<i32>} : memref<8x128xf32, #tpu.memory_space<vmem>>, vector<8x128xf32>,
      %broadcast_in_dim3A_59 = arith.constant 0 : i32
      %broadcast_in_dim3A_60 = vector.broadcast %broadcast_in_dim3A_59 : i32 to vector<8x128xi32>
      %swap3A_61 = arith.constant 0 : index
      %swap3A_62 = arith.constant 0 : index
      %swap3A_63 = vector.load %arg7[%swap3A_61, %swap3A_62] : memref<8x128xi32, #tpu.memory_space<vmem>>, vector<8x128xi32>
      tpu.vector_store %arg7[%swap3A_61, %swap3A_62], %broadcast_in_dim3A_60 {strides = array<i32>} : memref<8x128xi32, #tpu.memory_space<vmem>>, vector<8x128xi32>,
      %broadcast_in_dim3A_64 = arith.constant 0.000000e+00 : f32
      %broadcast_in_dim3A_65 = vector.broadcast %broadcast_in_dim3A_64 : f32 to vector<8x128xf32>
      %swap3A_66 = arith.constant 0 : index
      %swap3A_67 = arith.constant 0 : index
      %swap3A_68 = vector.load %arg8[%swap3A_66, %swap3A_67] : memref<8x128xf32, #tpu.memory_space<vmem>>, vector<8x128xf32>
      tpu.vector_store %arg8[%swap3A_66, %swap3A_67], %broadcast_in_dim3A_65 {strides = array<i32>} : memref<8x128xf32, #tpu.memory_space<vmem>>, vector<8x128xf32>,
      %broadcast_in_dim3A_69 = arith.constant 0.000000e+00 : f32
      %broadcast_in_dim3A_70 = vector.broadcast %broadcast_in_dim3A_69 : f32 to vector<8x128xf32>
      %swap3A_71 = arith.constant 0 : index
      %swap3A_72 = arith.constant 0 : index
      %swap3A_73 = vector.load %arg9[%swap3A_71, %swap3A_72] : memref<8x128xf32, #tpu.memory_space<vmem>>, vector<8x128xf32>
      tpu.vector_store %arg9[%swap3A_71, %swap3A_72], %broadcast_in_dim3A_70 {strides = array<i32>} : memref<8x128xf32, #tpu.memory_space<vmem>>, vector<8x128xf32>,
    } else {
    }
    %get3A = arith.constant 0 : index
    %get3A_2 = arith.constant 0 : index
    %get3A_3 = vector.load %arg1[%get3A, %get3A_2] : memref<2000x128xf32, #tpu.memory_space<vmem>>, vector<2000x128xf32>
    %reshape3A = vector.shape_cast %get3A_3 : vector<2000x128xf32> to vector<250x8x128xf32>
    %exp3A = math.exp %reshape3A : vector<250x8x128xf32>
    %reduce_sum3A = arith.constant dense<0.000000e+00> : vector<8x128xf32>
    %reduce_sum3A_4 = vector.multi_reduction <add>, %exp3A, %reduce_sum3A [0] : vector<250x8x128xf32> to vector<8x128xf32>
    %mul3A = arith.mulf %reshape3A, %exp3A : vector<250x8x128xf32>
    %reduce_sum3A_5 = arith.constant dense<0.000000e+00> : vector<8x128xf32>
    %reduce_sum3A_6 = vector.multi_reduction <add>, %mul3A, %reduce_sum3A_5 [0] : vector<250x8x128xf32> to vector<8x128xf32>
    %reduce_max3A = arith.constant dense<0xFF800000> : vector<8x128xf32>
    %reduce_max3A_7 = vector.multi_reduction <maximumf>, %reshape3A, %reduce_max3A [0] : vector<250x8x128xf32> to vector<8x128xf32>
    %iota3A = tpu.iota {dimensions = array<i32: 0>} : vector<250x8x128xi32>
    %mul3A_8 = arith.constant 8 : i32
    %mul3A_9 = vector.broadcast %mul3A_8 : i32 to vector<250x8x128xi32>
    %mul3A_10 = arith.muli %iota3A, %mul3A_9 : vector<250x8x128xi32>
    %iota3A_11 = tpu.iota {dimensions = array<i32: 1>} : vector<250x8x128xi32>
    %add3A = arith.addi %mul3A_10, %iota3A_11 : vector<250x8x128xi32>
    %mul3A_12 = arith.constant 2000 : i32
    %mul3A_13 = arith.muli %arg0, %mul3A_12 : i32
    %add3A_14 = vector.broadcast %mul3A_13 : i32 to vector<250x8x128xi32>
    %add3A_15 = arith.addi %add3A, %add3A_14 : vector<250x8x128xi32>
    %broadcast_in_dim3A = vector.shape_cast %reduce_max3A_7 : vector<8x128xf32> to vector<1x8x128xf32>
    %eq3A_16 = vector.broadcast %broadcast_in_dim3A : vector<1x8x128xf32> to vector<250x8x128xf32>
    %eq3A_17 = arith.cmpf oeq, %reshape3A, %eq3A_16 : vector<250x8x128xf32>
    %jit3A = arith.constant 2147483647 : i32
    %broadcast_in_dim3A_18 = vector.broadcast %jit3A : i32 to vector<250x8x128xi32>
    %select_n3A = arith.select %eq3A_17, %add3A_15, %broadcast_in_dim3A_18 : vector<250x8x128xi1>, vector<250x8x128xi32>
    %reduce_min3A = arith.constant dense<2147483647> : vector<8x128xi32>
    %reduce_min3A_19 = vector.multi_reduction <minsi>, %select_n3A, %reduce_min3A [0] : vector<250x8x128xi32> to vector<8x128xi32>
    %get3A_20 = arith.constant 0 : index
    %get3A_21 = arith.constant 0 : index
    %get3A_22 = vector.load %arg6[%get3A_20, %get3A_21] : memref<8x128xf32, #tpu.memory_space<vmem>>, vector<8x128xf32>
    %gt3A = arith.cmpf ogt, %reduce_max3A_7, %get3A_22 : vector<8x128xf32>
    %get3A_23 = arith.constant 0 : index
    %get3A_24 = arith.constant 0 : index
    %get3A_25 = vector.load %arg7[%get3A_23, %get3A_24] : memref<8x128xi32, #tpu.memory_space<vmem>>, vector<8x128xi32>
    %select_n3A_26 = arith.select %gt3A, %reduce_min3A_19, %get3A_25 : vector<8x128xi1>, vector<8x128xi32>
    %swap3A = arith.constant 0 : index
    %swap3A_27 = arith.constant 0 : index
    %swap3A_28 = vector.load %arg7[%swap3A, %swap3A_27] : memref<8x128xi32, #tpu.memory_space<vmem>>, vector<8x128xi32>
    tpu.vector_store %arg7[%swap3A, %swap3A_27], %select_n3A_26 {strides = array<i32>} : memref<8x128xi32, #tpu.memory_space<vmem>>, vector<8x128xi32>,
    %get3A_29 = arith.constant 0 : index
    %get3A_30 = arith.constant 0 : index
    %get3A_31 = vector.load %arg6[%get3A_29, %get3A_30] : memref<8x128xf32, #tpu.memory_space<vmem>>, vector<8x128xf32>
    %max3A = arith.maximumf %get3A_31, %reduce_max3A_7 : vector<8x128xf32>
    %swap3A_32 = arith.constant 0 : index
    %swap3A_33 = arith.constant 0 : index
    %swap3A_34 = vector.load %arg6[%swap3A_32, %swap3A_33] : memref<8x128xf32, #tpu.memory_space<vmem>>, vector<8x128xf32>
    tpu.vector_store %arg6[%swap3A_32, %swap3A_33], %max3A {strides = array<i32>} : memref<8x128xf32, #tpu.memory_space<vmem>>, vector<8x128xf32>,
    %get3A_35 = arith.constant 0 : index
    %get3A_36 = arith.constant 0 : index
    %get3A_37 = vector.load %arg8[%get3A_35, %get3A_36] : memref<8x128xf32, #tpu.memory_space<vmem>>, vector<8x128xf32>
    %add3A_38 = arith.addf %get3A_37, %reduce_sum3A_4 : vector<8x128xf32>
    %swap3A_39 = arith.constant 0 : index
    %swap3A_40 = arith.constant 0 : index
    %swap3A_41 = vector.load %arg8[%swap3A_39, %swap3A_40] : memref<8x128xf32, #tpu.memory_space<vmem>>, vector<8x128xf32>
    tpu.vector_store %arg8[%swap3A_39, %swap3A_40], %add3A_38 {strides = array<i32>} : memref<8x128xf32, #tpu.memory_space<vmem>>, vector<8x128xf32>,
    %get3A_42 = arith.constant 0 : index
    %get3A_43 = arith.constant 0 : index
    %get3A_44 = vector.load %arg9[%get3A_42, %get3A_43] : memref<8x128xf32, #tpu.memory_space<vmem>>, vector<8x128xf32>
    %add3A_45 = arith.addf %get3A_44, %reduce_sum3A_6 : vector<8x128xf32>
    %swap3A_46 = arith.constant 0 : index
    %swap3A_47 = arith.constant 0 : index
    %swap3A_48 = vector.load %arg9[%swap3A_46, %swap3A_47] : memref<8x128xf32, #tpu.memory_space<vmem>>, vector<8x128xf32>
    tpu.vector_store %arg9[%swap3A_46, %swap3A_47], %add3A_45 {strides = array<i32>} : memref<8x128xf32, #tpu.memory_space<vmem>>, vector<8x128xf32>,
    %eq3A_49 = arith.constant 23 : i32
    %eq3A_50 = arith.cmpi eq, %arg0, %eq3A_49 : i32
    %convert_element_type3A_51 = arith.extui %eq3A_50 : i1 to i32
    %cond3A_52 = arith.constant 0 : i32
    %cond3A_53 = arith.cmpi ne, %convert_element_type3A_51, %cond3A_52 : i32
    scf.if %cond3A_53 {
      %get3A_54 = arith.constant 0 : index
      %get3A_55 = arith.constant 0 : index
      %get3A_56 = vector.load %arg6[%get3A_54, %get3A_55] : memref<8x128xf32, #tpu.memory_space<vmem>>, vector<8x128xf32>
      %swap3A_57 = arith.constant 0 : index
      %swap3A_58 = arith.constant 0 : index
      %swap3A_59 = vector.load %arg2[%swap3A_57, %swap3A_58] : memref<8x128xf32, #tpu.memory_space<vmem>>, vector<8x128xf32>
      tpu.vector_store %arg2[%swap3A_57, %swap3A_58], %get3A_56 {strides = array<i32>} : memref<8x128xf32, #tpu.memory_space<vmem>>, vector<8x128xf32>,
      %get3A_60 = arith.constant 0 : index
      %get3A_61 = arith.constant 0 : index
      %get3A_62 = vector.load %arg7[%get3A_60, %get3A_61] : memref<8x128xi32, #tpu.memory_space<vmem>>, vector<8x128xi32>
      %swap3A_63 = arith.constant 0 : index
      %swap3A_64 = arith.constant 0 : index
      %swap3A_65 = vector.load %arg3[%swap3A_63, %swap3A_64] : memref<8x128xi32, #tpu.memory_space<vmem>>, vector<8x128xi32>
      tpu.vector_store %arg3[%swap3A_63, %swap3A_64], %get3A_62 {strides = array<i32>} : memref<8x128xi32, #tpu.memory_space<vmem>>, vector<8x128xi32>,
      %get3A_66 = arith.constant 0 : index
      %get3A_67 = arith.constant 0 : index
      %get3A_68 = vector.load %arg8[%get3A_66, %get3A_67] : memref<8x128xf32, #tpu.memory_space<vmem>>, vector<8x128xf32>
      %swap3A_69 = arith.constant 0 : index
      %swap3A_70 = arith.constant 0 : index
      %swap3A_71 = vector.load %arg4[%swap3A_69, %swap3A_70] : memref<8x128xf32, #tpu.memory_space<vmem>>, vector<8x128xf32>
      tpu.vector_store %arg4[%swap3A_69, %swap3A_70], %get3A_68 {strides = array<i32>} : memref<8x128xf32, #tpu.memory_space<vmem>>, vector<8x128xf32>,
      %get3A_72 = arith.constant 0 : index
      %get3A_73 = arith.constant 0 : index
      %get3A_74 = vector.load %arg9[%get3A_72, %get3A_73] : memref<8x128xf32, #tpu.memory_space<vmem>>, vector<8x128xf32>
      %swap3A_75 = arith.constant 0 : index
      %swap3A_76 = arith.constant 0 : index
      %swap3A_77 = vector.load %arg5[%swap3A_75, %swap3A_76] : memref<8x128xf32, #tpu.memory_space<vmem>>, vector<8x128xf32>
      tpu.vector_store %arg5[%swap3A_75, %swap3A_76], %get3A_74 {strides = array<i32>} : memref<8x128xf32, #tpu.memory_space<vmem>>, vector<8x128xf32>,
    } else {
    }
    return
  }
  func.func @transform_0(%arg0: i32) -> (i32, i32) {
    %c0_i32 = arith.constant 0 : i32
    %c0_i32_0 = arith.constant 0 : i32
    return %arg0, %c0_i32 : i32, i32
  }
  func.func @transform_1(%arg0: i32) -> (i32, i32) {
    %c0_i32 = arith.constant 0 : i32
    %c0_i32_0 = arith.constant 0 : i32
    %c0_i32_1 = arith.constant 0 : i32
    return %c0_i32, %c0_i32_0 : i32, i32
  }
  func.func @transform_2(%arg0: i32) -> (i32, i32) {
    %c0_i32 = arith.constant 0 : i32
    %c0_i32_0 = arith.constant 0 : i32
    %c0_i32_1 = arith.constant 0 : i32
    return %c0_i32, %c0_i32_0 : i32, i32
  }
  func.func @transform_3(%arg0: i32) -> (i32, i32) {
    %c0_i32 = arith.constant 0 : i32
    %c0_i32_0 = arith.constant 0 : i32
    %c0_i32_1 = arith.constant 0 : i32
    return %c0_i32, %c0_i32_0 : i32, i32
  }
  func.func @transform_4(%arg0: i32) -> (i32, i32) {
    %c0_i32 = arith.constant 0 : i32
    %c0_i32_0 = arith.constant 0 : i32
    %c0_i32_1 = arith.constant 0 : i32
    return %c0_i32, %c0_i32_0 : i32, i32
  }
}

module attributes {stable_mosaic.version = 14 : i64} {
  func.func @merge_kernel(%arg0: memref<32x128xf32, #tpu.memory_space<vmem>>, %arg1: memref<32x128xi32, #tpu.memory_space<vmem>>, %arg2: memref<32x128xf32, #tpu.memory_space<vmem>>, %arg3: memref<32x128xf32, #tpu.memory_space<vmem>>, %arg4: memref<8x128xf32, #tpu.memory_space<vmem>>, %arg5: memref<8x128xi32, #tpu.memory_space<vmem>>, %arg6: memref<8x128xf32, #tpu.memory_space<vmem>>, %arg7: memref<8x128xf32, #tpu.memory_space<vmem>>, %arg8: memref<128xi32, #tpu.memory_space<vmem>>, %arg9: memref<128xf32, #tpu.memory_space<vmem>>, %arg10: memref<128xf32, #tpu.memory_space<vmem>>) attributes {dimension_semantics = [], scalar_prefetch = 0 : i64, scratch_operands = 0 : i64, tpu.core_type = #tpu.core_type<tc>} {
    %get3A = arith.constant 0 : index
    %get3A_0 = arith.constant 0 : index
    %get3A_1 = vector.load %arg0[%get3A, %get3A_0] : memref<32x128xf32, #tpu.memory_space<vmem>>, vector<32x128xf32>
    %reduce_max3A = arith.constant dense<0xFF800000> : vector<128xf32>
    %reduce_max3A_2 = vector.multi_reduction <maximumf>, %get3A_1, %reduce_max3A [0] : vector<32x128xf32> to vector<128xf32>
    %get3A_3 = arith.constant 0 : index
    %get3A_4 = arith.constant 0 : index
    %get3A_5 = vector.load %arg4[%get3A_3, %get3A_4] : memref<8x128xf32, #tpu.memory_space<vmem>>, vector<8x128xf32>
    %reduce_max3A_6 = arith.constant dense<0xFF800000> : vector<128xf32>
    %reduce_max3A_7 = vector.multi_reduction <maximumf>, %get3A_5, %reduce_max3A_6 [0] : vector<8x128xf32> to vector<128xf32>
    %max3A = arith.maximumf %reduce_max3A_2, %reduce_max3A_7 : vector<128xf32>
    %get3A_8 = arith.constant 0 : index
    %get3A_9 = arith.constant 0 : index
    %get3A_10 = vector.load %arg0[%get3A_8, %get3A_9] : memref<32x128xf32, #tpu.memory_space<vmem>>, vector<32x128xf32>
    %broadcast_in_dim3A = vector.shape_cast %max3A : vector<128xf32> to vector<1x128xf32>
    %eq3A = vector.broadcast %broadcast_in_dim3A : vector<1x128xf32> to vector<32x128xf32>
    %eq3A_11 = arith.cmpf oeq, %get3A_10, %eq3A : vector<32x128xf32>
    %get3A_12 = arith.constant 0 : index
    %get3A_13 = arith.constant 0 : index
    %get3A_14 = vector.load %arg1[%get3A_12, %get3A_13] : memref<32x128xi32, #tpu.memory_space<vmem>>, vector<32x128xi32>
    %jit3A = arith.constant 2147483647 : i32
    %broadcast_in_dim3A_15 = vector.broadcast %jit3A : i32 to vector<32x128xi32>
    %select_n3A = arith.select %eq3A_11, %get3A_14, %broadcast_in_dim3A_15 : vector<32x128xi1>, vector<32x128xi32>
    %reduce_min3A = arith.constant dense<2147483647> : vector<128xi32>
    %reduce_min3A_16 = vector.multi_reduction <minsi>, %select_n3A, %reduce_min3A [0] : vector<32x128xi32> to vector<128xi32>
    %get3A_17 = arith.constant 0 : index
    %get3A_18 = arith.constant 0 : index
    %get3A_19 = vector.load %arg4[%get3A_17, %get3A_18] : memref<8x128xf32, #tpu.memory_space<vmem>>, vector<8x128xf32>
    %broadcast_in_dim3A_20 = vector.shape_cast %max3A : vector<128xf32> to vector<1x128xf32>
    %eq3A_21 = vector.broadcast %broadcast_in_dim3A_20 : vector<1x128xf32> to vector<8x128xf32>
    %eq3A_22 = arith.cmpf oeq, %get3A_19, %eq3A_21 : vector<8x128xf32>
    %get3A_23 = arith.constant 0 : index
    %get3A_24 = arith.constant 0 : index
    %get3A_25 = vector.load %arg5[%get3A_23, %get3A_24] : memref<8x128xi32, #tpu.memory_space<vmem>>, vector<8x128xi32>
    %jit3A_26 = arith.constant 2147483647 : i32
    %broadcast_in_dim3A_27 = vector.broadcast %jit3A_26 : i32 to vector<8x128xi32>
    %select_n3A_28 = arith.select %eq3A_22, %get3A_25, %broadcast_in_dim3A_27 : vector<8x128xi1>, vector<8x128xi32>
    %reduce_min3A_29 = arith.constant dense<2147483647> : vector<128xi32>
    %reduce_min3A_30 = vector.multi_reduction <minsi>, %select_n3A_28, %reduce_min3A_29 [0] : vector<8x128xi32> to vector<128xi32>
    %min3A = arith.minsi %reduce_min3A_16, %reduce_min3A_30 : vector<128xi32>
    %get3A_31 = arith.constant 0 : index
    %get3A_32 = arith.constant 0 : index
    %get3A_33 = vector.load %arg2[%get3A_31, %get3A_32] : memref<32x128xf32, #tpu.memory_space<vmem>>, vector<32x128xf32>
    %reduce_sum3A = arith.constant dense<0.000000e+00> : vector<128xf32>
    %reduce_sum3A_34 = vector.multi_reduction <add>, %get3A_33, %reduce_sum3A [0] : vector<32x128xf32> to vector<128xf32>
    %get3A_35 = arith.constant 0 : index
    %get3A_36 = arith.constant 0 : index
    %get3A_37 = vector.load %arg6[%get3A_35, %get3A_36] : memref<8x128xf32, #tpu.memory_space<vmem>>, vector<8x128xf32>
    %reduce_sum3A_38 = arith.constant dense<0.000000e+00> : vector<128xf32>
    %reduce_sum3A_39 = vector.multi_reduction <add>, %get3A_37, %reduce_sum3A_38 [0] : vector<8x128xf32> to vector<128xf32>
    %add3A = arith.addf %reduce_sum3A_34, %reduce_sum3A_39 : vector<128xf32>
    %get3A_40 = arith.constant 0 : index
    %get3A_41 = arith.constant 0 : index
    %get3A_42 = vector.load %arg3[%get3A_40, %get3A_41] : memref<32x128xf32, #tpu.memory_space<vmem>>, vector<32x128xf32>
    %reduce_sum3A_43 = arith.constant dense<0.000000e+00> : vector<128xf32>
    %reduce_sum3A_44 = vector.multi_reduction <add>, %get3A_42, %reduce_sum3A_43 [0] : vector<32x128xf32> to vector<128xf32>
    %get3A_45 = arith.constant 0 : index
    %get3A_46 = arith.constant 0 : index
    %get3A_47 = vector.load %arg7[%get3A_45, %get3A_46] : memref<8x128xf32, #tpu.memory_space<vmem>>, vector<8x128xf32>
    %reduce_sum3A_48 = arith.constant dense<0.000000e+00> : vector<128xf32>
    %reduce_sum3A_49 = vector.multi_reduction <add>, %get3A_47, %reduce_sum3A_48 [0] : vector<8x128xf32> to vector<128xf32>
    %add3A_50 = arith.addf %reduce_sum3A_44, %reduce_sum3A_49 : vector<128xf32>
    %log3A = math.log %add3A : vector<128xf32>
    %swap3A = arith.constant 0 : index
    %swap3A_51 = vector.load %arg8[%swap3A] : memref<128xi32, #tpu.memory_space<vmem>>, vector<128xi32>
    tpu.vector_store %arg8[%swap3A], %min3A {strides = array<i32>} : memref<128xi32, #tpu.memory_space<vmem>>, vector<128xi32>,
    %sub3A = arith.subf %max3A, %log3A : vector<128xf32>
    %swap3A_52 = arith.constant 0 : index
    %swap3A_53 = vector.load %arg9[%swap3A_52] : memref<128xf32, #tpu.memory_space<vmem>>, vector<128xf32>
    tpu.vector_store %arg9[%swap3A_52], %sub3A {strides = array<i32>} : memref<128xf32, #tpu.memory_space<vmem>>, vector<128xf32>,
    %div3A = arith.divf %add3A_50, %add3A : vector<128xf32>
    %sub3A_54 = arith.subf %log3A, %div3A : vector<128xf32>
    %swap3A_55 = arith.constant 0 : index
    %swap3A_56 = vector.load %arg10[%swap3A_55] : memref<128xf32, #tpu.memory_space<vmem>>, vector<128xf32>
    tpu.vector_store %arg10[%swap3A_55], %sub3A_54 {strides = array<i32>} : memref<128xf32, #tpu.memory_space<vmem>>, vector<128xf32>,
    return
  }
}

</mosaic_0001>

<sc_bundles>
// kernel: kernel.5.cloned.1.call-start
scs
__scs_entry_jumppad:
0x0: {  	(pc) =	sbr.rel $0x88, $3  }
0x1: {  	(tag) =	ssettag $0x0;
	lr =	simm.s32 $0x1  }
0x2: {  	[smem:$0x3F9F] =	sst lr;
	_ =	strace $0xD0000000  }
0x3: {  	_ = 	snop  }
0x4: {  	_ = 	snop  }
0x5: {  	_ = 	snop  }
0x6: {  	_ = 	snop  }
0x7: {  	_ = 	snop  }
__scs_overlays_trampoline_lowered:
0x8: {  	[smem:$0x3FAE] =	sst s0  }
0x9: {  	[smem:$0x3FAF] =	sst s1  }
0xa: {  	[smem:$0x3FB0] =	sst s2  }
0xb: {  	[smem:$0x3FB1] =	sst s3  }
0xc: {  	[smem:$0x3FB2] =	sst s4  }
0xd: {  	[smem:$0x3FB3] =	sst s5  }
0xe: {  	[smem:$0x3FB4] =	sst s6  }
0xf: {  	[smem:$0x3FB5] =	sst s7  }
0x10: {  	[smem:$0x3FB6] =	sst s8  }
0x11: {  	[smem:$0x3FB7] =	sst s9;
	s0 =	simm.s32 @!p0 $0x0  }
0x12: {  	s1 =	sld [smem:$0x3F9D];
	s0 =	simm.s32 @p0 $0x1  }
0x13: {  	[smem:$0x3FB8] =	sst s0;
	s0 =	simm.s32 @!p1 $0x0  }
0x14: {  	s2 =	sld [smem:$0x3F9C];
	s0 =	simm.s32 @p1 $0x1  }
0x15: {  	[smem:$0x3FB9] =	sst s0;
	s0 =	simm.s32 @!p2 $0x0  }
0x16: {  	s3 =	sld [smem:$0x3FDB];
	s0 =	simm.s32 @p2 $0x1  }
0x17: {  	s4 =	simm.s32 $0x1BF5;
	[smem:$0x3FBB] =	sst s0  }
0x18: {  	s0 =	sld [smem:$0x3F9E];
	_ =	swait.ge [sflag:s4], $0x0  }
0x19: {  	s7 =	sld [smem:$0x3F9F]  }
0x1a: {  	s8 =	sadd.s32 $0xFFFFE003, lr  }
0x1b: {  	s9 =	sadd.s32 $0xFFFFFEF7, lr;
	s5 =	simm.s32 $0xFFFFFFFF;
	p2 =	slt.u32 s8, $0xFFFFF086  }
0x1c: {  	p1 =	slt.u32 s9, $0xF7A;
	s5 =	simm.s32 @!p2 $0x0  }
0x1d: {  	s5 =	simm.s32 @p1 $0x1;
	p0 =	seq.s32 s7, s2  }
0x1e: {  	s7 =	smul.u32 @!p0 $0xF7A, s2;
	p2 =	seq.s32 @!p0 s5, $0x0  }
0x1f: {  	s9 =	smul.u32 $0xF7A, s1;
	s8 =	simm.s32 @!p0 $0x1BF5;
	p2 =	por !p2, p0  }
0x20: {  	[sflag:s8] =	ssyncset.s32 @!p0 $0xFFFFF086;
	s6 =	sadd.s32 @!p0 s3, s7;
	s7 =	simm.s32 @!p0 $0x108  }
0x21: {  	s3 =	sadd.s32 s3, s9;
	s6 =	sadd.s32 @!p0 $0x88, s6;
	s7 =	simm.s32 @p2 $0x1082  }
0x22: {  	[simem:s7], [sflag:s8] =	dma.local @!p0 [hbm:s6], $0xF7A  }
0x23: {  	s9 =	sor.u32 $0xD0000000, s2;
	s6 =	simm.s32 $0x108;
	_ =	swait.ge @!p0 [sflag:s8], $0x0  }
0x24: {  	s3 =	sadd.s32 $0x88, s3;
	s6 =	simm.s32 @!p1 $0x1082;
	[sflag:s4] =	ssyncset.s32 $0xFFFFF086  }
0x25: {  	[simem:s6], [sflag:s4] =	dma.local [hbm:s3], $0xF7A  }
0x26: {  	[smem:$0x3F9F] =	sst s1;
	(tag) =	ssettag s2;
	_ =	strace s9  }
0x27: {  	s1 =	sld [smem:$0x3FAF]  }
0x28: {  	s2 =	sld [smem:$0x3FB0]  }
0x29: {  	s4 =	sld [smem:$0x3FB2]  }
0x2a: {  	p0 =	seq.s32 s5, $0x0;
	s5 =	sld [smem:$0x3FB3]  }
0x2b: {  	s6 =	sld [smem:$0x3FB4]  }
0x2c: {  	s7 =	sld [smem:$0x3FB5]  }
0x2d: {  	s3 =	simm.s32 $0x108;
	s8 =	sld [smem:$0x3FB6]  }
0x2e: {  	s3 =	simm.s32 @!p0 $0x1082;
	s9 =	sld [smem:$0x3FB7]  }
0x2f: {  	lr =	sadd.s32 s0, s3;
	s0 =	sld [smem:$0x3FAE]  }
0x30: {  	s3 =	sld [smem:$0x3FB1]  }
0x31: {  	[smem:$0x3FBA] =	sst s10  }
0x32: {  	s10 =	sld [smem:$0x3FB8];
	_ =	sdelay $0x3  }
0x33: {  	p0 =	seq.s32 s10, $0x1;
	s10 =	sld [smem:$0x3FBA];
	_ =	sdelay $0x3  }
0x34: {  	[smem:$0x3FBA] =	sst s10  }
0x35: {  	s10 =	sld [smem:$0x3FB9];
	_ =	sdelay $0x3  }
0x36: {  	p1 =	seq.s32 s10, $0x1;
	s10 =	sld [smem:$0x3FBA];
	_ =	sdelay $0x3  }
0x37: {  	[smem:$0x3FBA] =	sst s10  }
0x38: {  	s10 =	sld [smem:$0x3FBB]  }
0x39: {  	_ = 	snop;
	(pc) =	sbr.ind lr, $3  }
0x3a: {  	_ = 	snop  }
0x3b: {  	_ = 	snop  }
0x3c: {  	p2 =	seq.s32 s10, $0x1;
	s10 =	sld [smem:$0x3FBA]  }
0x3d: {  	_ =	shalt  }
0x3e: {  	_ =	shalt  }
0x3f: {  	_ =	shalt  }
0x40: {  	_ =	shalt  }
0x41: {  	_ =	shalt  }
0x42: {  	_ =	shalt  }
0x43: {  	_ =	shalt  }
0x44: {  	_ =	shalt  }
0x45: {  	_ =	shalt  }
0x46: {  	_ =	shalt  }
0x47: {  	_ =	shalt  }
0x48: {  	_ =	shalt  }
0x49: {  	_ =	shalt  }
0x4a: {  	_ =	shalt  }
0x4b: {  	_ =	shalt  }
0x4c: {  	_ =	shalt  }
0x4d: {  	_ =	shalt  }
0x4e: {  	_ =	shalt  }
0x4f: {  	_ =	shalt  }
0x50: {  	_ =	shalt  }
0x51: {  	_ =	shalt  }
0x52: {  	_ =	shalt  }
0x53: {  	_ =	shalt  }
0x54: {  	_ =	shalt  }
0x55: {  	_ =	shalt  }
0x56: {  	_ =	shalt  }
0x57: {  	_ =	shalt  }
0x58: {  	_ =	shalt  }
0x59: {  	_ =	shalt  }
0x5a: {  	_ =	shalt  }
0x5b: {  	_ =	shalt  }
0x5c: {  	_ =	shalt  }
0x5d: {  	_ =	shalt  }
0x5e: {  	_ =	shalt  }
0x5f: {  	_ =	shalt  }
0x60: {  	_ =	shalt  }
0x61: {  	_ =	shalt  }
0x62: {  	_ =	shalt  }
0x63: {  	_ =	shalt  }
0x64: {  	_ =	shalt  }
0x65: {  	_ =	shalt  }
0x66: {  	_ =	shalt  }
0x67: {  	_ =	shalt  }
0x68: {  	_ =	shalt  }
0x69: {  	_ =	shalt  }
0x6a: {  	_ =	shalt  }
0x6b: {  	_ =	shalt  }
0x6c: {  	_ =	shalt  }
0x6d: {  	_ =	shalt  }
0x6e: {  	_ =	shalt  }
0x6f: {  	_ =	shalt  }
0x70: {  	_ =	shalt  }
0x71: {  	_ =	shalt  }
0x72: {  	_ =	shalt  }
0x73: {  	_ =	shalt  }
0x74: {  	_ =	shalt  }
0x75: {  	_ =	shalt  }
0x76: {  	_ =	shalt  }
0x77: {  	_ =	shalt  }
0x78: {  	_ =	shalt  }
0x79: {  	_ =	shalt  }
0x7a: {  	_ =	shalt  }
0x7b: {  	_ =	shalt  }
0x7c: {  	_ =	shalt  }
0x7d: {  	_ =	shalt  }
0x7e: {  	_ =	shalt  }
0x7f: {  	_ =	shalt  }
0x80: {  	_ =	shalt  }
0x81: {  	_ =	shalt  }
0x82: {  	_ =	shalt  }
0x83: {  	_ =	shalt  }
0x84: {  	_ =	shalt  }
0x85: {  	_ =	shalt  }
0x86: {  	_ =	shalt  }
0x87: {  	_ =	shalt  }
.Lfunc_end0:
.L_simem_size_0:
called_computation_lowered:
.L_overlay_start_0:
0x88: {  	s2 =	sld [smem:$0x3FD9]  }
0x89: {  	s3 =	sld [smem:$0x3FFE];
	_ =	sdelay $0x1  }
0x8a: {  	s1 =	srdreg.scid  }
0x8b: {  	s0 =	sand.u32 $0x1, s1  }
0x8c: {  	s14 =	sshll.u32 s0, $0xA;
	s2 =	sadd.s32 s3, s2  }
0x8d: {  	s2 =	sadd.s32 s2, s14  }
0x8e: {  	[smem:$0x3FC6] =	sst s2  }
0x8f: {  	_ = 	snop  }
0x90: {  	s2 =	sld [smem:$0x3FD0];
	_ =	sdelay $0x2  }
0x91: {  	s4 =	simm.s32 $0xA;
	s5 =	simm.s32 $0x10;
	s15 =	sld [smem:$0x3FC9]  }
0x92: {  	[smem:s5], [sflag:s4] =	dma.local [hbm:s2], $0x1  }
0x93: {  	_ =	swait.eq [sflag:s4], $0x1  }
0x94: {  	[sflag:s4] =	ssyncset.done $0x0  }
0x95: {  	[sflag:s4] =	ssyncadd.s32 $0xFFFFFFFF  }
0x96: {  	s16 =	sld [smem:$0x11];
	(tm) =	ssettm $0x1  }
0x97: {  	s17 =	sld [smem:$0x3FFB];
	_ =	sdelay $0x3  }
0x98: {  	_ =	strace s17  }
0x99: {  	s4 =	sld [smem:$0x3FFC];
	_ =	sdelay $0x3  }
0x9a: {  	_ =	strace s4  }
0x9b: {  	s4 =	sld [smem:$0x3FFD];
	_ =	sdelay $0x3  }
0x9c: {  	_ =	strace s4  }
0x9d: {  	_ =	strace $0x8FFFFFFF  }
0x9e: {  	s18 =	sld [smem:$0x3FDB];
	_ =	sdelay $0x1  }
0x9f: {  	s19 =	simm.s32 $_scs_section_size  }
0xa0: {  	s6 =	simm.s32 $_size__tile_overlayer_lowered;
	s7 =	simm.s32 $_tile_overlayer_lowered  }
0xa1: {  	s22 =	simm.s32 $0x1BFF;
	s21 =	sshll.u32 s7, $0x1;
	s4 =	sadd.s32 s19, s18  }
0xa2: {  	s8 =	simm.s32 $0x0;
	s20 =	sshll.u32 s6, $0x1;
	s6 =	sadd.s32 s21, s4  }
0xa3: {  	[timem:s8], [sflag:s22] =	dma.local [hbm:s6], s20  }
0xa4: {  	_ =	swait.ge [sflag:s22], s20  }
0xa5: {  	s5 =	ssub.s32 $0x0, s20;
	[sflag:s22] =	ssyncset.done $0x0  }
0xa6: {  	[sflag:s22] =	ssyncadd.s32 s5;
	_ =	sdelay $0x1  }
0xa7: {  	s23 =	simm.s32 $0x1B8B  }
0xa8: {  	_ =	swait.ge [sflag:s23], $0x1  }
0xa9: {  	[sflag:s23] =	ssyncset.done $0x0  }
0xaa: {  	s25 =	simm.s32 $0x1B8E;
	s24 =	sld [smem:$0x3FFE];
	[sflag:s23] =	ssyncadd.s32 $0xFFFFFFFF  }
0xab: {  	s26 =	simm.s32 $execute0_lowered;
	[smem:$0x3FD2] =	sst s25  }
0xac: {  	s6 =	sshll.u32 s26, $0x1;
	_ =	strace $0x80000046;
	[dreg:$0x1] =	wrdreg $0xFFFFFFFF  }
0xad: {  	s28 =	simm.s32 $_size_execute0_lowered;
	s4 =	sadd.s32 s4, s6;
	[dreg:$0x0] =	wrdreg $0x0  }
0xae: {  	s6 =	sshll.u32 s28, $0x1;
	[dreg:$0x2] =	wrdreg s4  }
0xaf: {  	[dreg:$0x3] =	wrdreg s6  }
0xb0: {  	[dreg:$0x4] =	wrdreg $0xC0  }
0xb1: {  	_ =	task [dreg:s8], $0x5FFFF  }
0xb2: {  	[dreg:$0x1] =	wrdreg $0xFFFFFFFF  }
0xb3: {  	[dreg:$0x0] =	wrdreg $0x60  }
0xb4: {  	[dreg:$0x2] =	wrdreg s15  }
0xb5: {  	[dreg:$0x3] =	wrdreg s16  }
0xb6: {  	[dreg:$0x4] =	wrdreg s24  }
0xb7: {  	[dreg:$0x5] =	wrdreg $0x9  }
0xb8: {  	_ =	task.clear_ibuf [dreg:s8], $0x6FFFF;
	_ =	strace $0x90000046  }
0xb9: {  	s29 =	simm.s32 $0x9;
	_ =	strace $0x80000048  }
0xba: {  	_ =	swait.ge [sflag:s29], $0x1  }
0xbb: {  	[sflag:s29] =	ssyncadd.s32 $0xFFFFFFFF  }
0xbc: {  	_ =	strace $0x90000048  }
0xbd: {  	_ =	sfence  }
0xbe: {  	s30 =	sld [smem:$0x0];
	_ =	sdelay $0x2  }
0xbf: {  	s31 =	sshll.u32 s1, $0xD;
	s1 =	sshrl.u32 s1, $0x2  }
0xc0: {  	s3 =	sand.u32 $0x4000, s31;
	s1 =	sadd.s32 s1, s30  }
0xc1: {  	s0 =	sor.u32 s3, s0;
	s1 =	sshll.u32 s1, $0x11  }
0xc2: {  	s0 =	sor.u32 s1, s0  }
0xc3: {  	s0 =	sadd.s32 $0x8F2B, s0  }
0xc4: {  	[sflag:s0] =	ssyncadd.remote.s32 $0x1  }
0xc5: {  	_ =	sfence.sel $0xFFFF  }
0xc6: {  	[dreg:$0x0] =	wrdreg $0xFFFFFFFF;
	(pc) =	sbr.abs _section_cstart, $3  }
0xc7: {  	[dreg:$0x1] =	wrdreg $0xFFFFFFFF  }
0xc8: {  	_ =	task.clear_ibuf [dreg:s8], $0x2FFFF;
	_ =	strace $0x9FFFFFFF  }
0xc9: {  	(tm) =	ssettm $0x7FFFFFFF  }
tec
execute0_lowered:
.L_overlay_start_1:
0x0: {  	(tag) =	ssettag $0x1  }
0x1: {  	s2 =	rddreg [dreg:$0x0]  }
0x2: {  	s0 =	srdreg.scid;
	s8 =	rddreg [dreg:$0x1]  }
0x3: {  	s5 =	rddreg [dreg:$0x2];
	s3 =	simm.s32 $0x0;
	s18 =	simm.s32 $0x3  }
0x4: {  	s19 =	simm.s32 $0x5080;
	s20 =	simm.s32 $0x5100;
	s21 =	simm.s32 $0x5180  }
0x5: {  	s22 =	simm.s32 $0x0;
	s7 =	sand.u32 $0x1, s0;
	s0 =	stileid.u32  }
0x6: {  	[smem:$0x7FF] =	sst s3;
	s1 =	sshll.u32 s7, $0x4;
	s31 =	smul.u32 $0x6400, s7  }
0x7: {  	s6 =	ssub.s32 $0x2, s7;
	s15 =	smul.u32 $0x640, s0;
	s17 =	sor.u32 s0, s1  }
0x8: {  	s12 =	sshrl.u32 s6, $0x1;
	s1 =	smul.u32 $0x14, s17;
	s10 =	smax.u32 s17, $0x16  }
0x9: {  	s11 =	sshll.u32 s17, $0x4;
	s12 =	ssub.s32 s6, s12;
	p0 =	sgt.u32 s17, $0x15  }
0xa: {  	s6 =	simm.s32 $0x14;
	s14 =	sadd.s32 s11, s5;
	s4 =	sadd.s32 s1, s10  }
0xb: {  	s6 =	simm.s32 @!p0 $0x13;
	s16 =	smul.u32 $0x50, s10;
	s4 =	sadd.s32 $0x242, s4  }
0xc: {  	s8 =	sadd.s32 s8, s11;
	s12 =	smax.u32 s12, $0x1;
	s9 =	smul.u32 $0x500, s4  }
0xd: {  	p0 =	slt.u32 s17, $0x16;
	s17 =	simm.s32 $0x5000;
	s13 =	smul.u32 $0x2800, s4  }
.Ltmp0:
0xe: {  	s1 =	rddreg [dreg:$0x3];
	_ =	strace $0x80000047;
	(pc) =	sbr.rel .LBB2_1-.Ltmp0, $4  }
0xf: {  	s10 =	sadd.s32 $0x1800, s14;
	s11 =	sadd.s32 $0x1A00, s14;
	s5 =	sadd.s32 s2, s9  }
0x10: {  	s29 =	sshrl.u32 s13, $0x3;
	s9 =	sadd.s32 $0x1600, s14;
	s13 =	sadd.s32 s15, s31  }
0x11: {  	s14 =	simm.s32 $0x2800;
	s15 =	simm.s32 $0x1;
	s30 =	sadd.s32 s2, s29  }
0x12: {  	s13 =	sadd.s32 s16, s13;
	s16 =	simm.s32 $0x2;
	s7 =	sadd.s32 $0x500, s30  }
.LBB2_11:
0x13: {  	_ =	swait.ge [sflag:s16], $0x2800  }
0x14: {  	[sflag:s16] =	ssyncset.done $0x0  }
0x15: {  	[sflag:s16] =	ssyncadd.s32 $0xFFFFD800  }
0x16: {  	[tilespmem:$0x5000] =	vst v15  }
0x17: {  	[tilespmem:$0x5080] =	vst v17  }
0x18: {  	[tilespmem:$0x5100] =	vst v16  }
0x19: {  	[tilespmem:$0x5180] =	vst v35  }
0x1a: {  	[tilespmem:$0x5010] =	vst v9  }
0x1b: {  	[tilespmem:$0x5090] =	vst v8  }
0x1c: {  	[tilespmem:$0x5110] =	vst v6  }
0x1d: {  	[tilespmem:$0x5190] =	vst v3  }
0x1e: {  	[tilespmem:$0x5020] =	vst v33  }
0x1f: {  	[tilespmem:$0x50A0] =	vst v4  }
0x20: {  	[tilespmem:$0x5120] =	vst v10  }
0x21: {  	[tilespmem:$0x51A0] =	vst v27  }
0x22: {  	[tilespmem:$0x5030] =	vst v34  }
0x23: {  	[tilespmem:$0x50B0] =	vst v14  }
0x24: {  	[tilespmem:$0x5130] =	vst v24  }
0x25: {  	[tilespmem:$0x51B0] =	vst v23  }
0x26: {  	[tilespmem:$0x5040] =	vst v32  }
0x27: {  	[tilespmem:$0x50C0] =	vst v31  }
0x28: {  	[tilespmem:$0x5140] =	vst v26  }
0x29: {  	[tilespmem:$0x51C0] =	vst v0  }
0x2a: {  	[tilespmem:$0x5050] =	vst v12  }
0x2b: {  	[tilespmem:$0x50D0] =	vst v13  }
0x2c: {  	[tilespmem:$0x5150] =	vst v25  }
0x2d: {  	[tilespmem:$0x51D0] =	vst v2  }
0x2e: {  	[tilespmem:$0x5060] =	vst v30  }
0x2f: {  	[tilespmem:$0x50E0] =	vst v29  }
0x30: {  	[tilespmem:$0x5160] =	vst v11  }
0x31: {  	[tilespmem:$0x51E0] =	vst v5  }
0x32: {  	[tilespmem:$0x5070] =	vst v7  }
0x33: {  	[tilespmem:$0x50F0] =	vst v39  }
0x34: {  	[tilespmem:$0x5170] =	vst v22  }
0x35: {  	[tilespmem:$0x51F0] =	vst v1  }
0x36: {  	[hbm4b:s8+s3] =	stream.linear.scatter [tilespmem:s17], [sflag:$0x3], $0x80, $0x38;
	[tilespmem:$0x5200] =	vst v63  }
0x37: {  	_ =	swait.ge [sflag:s18], $0x80  }
0x38: {  	[sflag:s18] =	ssyncset.done $0x0  }
0x39: {  	[sflag:s18] =	ssyncadd.s32 $0xFFFFFF80  }
0x3a: {  	[hbm4b:s9+s3] =	stream.linear.scatter [tilespmem:s19], [sflag:$0x3], $0x80, $0x38;
	[tilespmem:$0x5200] =	vst v63  }
0x3b: {  	_ =	swait.ge [sflag:s18], $0x80  }
0x3c: {  	[sflag:s18] =	ssyncset.done $0x0  }
0x3d: {  	[sflag:s18] =	ssyncadd.s32 $0xFFFFFF80  }
0x3e: {  	[hbm4b:s10+s3] =	stream.linear.scatter [tilespmem:s20], [sflag:$0x3], $0x80, $0x38;
	[tilespmem:$0x5200] =	vst v63  }
0x3f: {  	s22 =	sadd.s32 $0x1, s22;
	_ =	swait.ge [sflag:s18], $0x80  }
0x40: {  	p1 =	sne.s32 s22, s12;
	[sflag:s18] =	ssyncset.done $0x0  }
.Ltmp1:
0x41: {  	[sflag:s18] =	ssyncadd.s32 $0xFFFFFF80;
	(pc) =	sbr.rel @!p1 .LBB2_12-.Ltmp1, $4  }
0x42: {  	[hbm4b:s11+s3] =	stream.linear.scatter [tilespmem:s21], [sflag:$0x3], $0x80, $0x38;
	[tilespmem:$0x5200] =	vst v63  }
0x43: {  	_ =	swait.ge [sflag:s18], $0x80  }
0x44: {  	[sflag:s18] =	ssyncset.done $0x0  }
0x45: {  	[sflag:s18] =	ssyncadd.s32 $0xFFFFFF80  }
.LBB2_1:
0x46: {  	v7 =	vimm.f32 $-3.000000010e+38;
	v39 =	vimm.s32 $0x0  }
0x47: {  	v1 =	vimm.f32 $0.0e+00;
	v5 =	vimm.f32 $0.0e+00;
	v2 =	vimm.f32 $0.0e+00  }
0x48: {  	v0 =	vimm.f32 $0.0e+00;
	v23 =	vimm.f32 $0.0e+00;
	v27 =	vimm.f32 $0.0e+00  }
0x49: {  	v3 =	vimm.f32 $0.0e+00;
	v35 =	vimm.f32 $0.0e+00;
	v22 =	vimm.f32 $0.0e+00  }
0x4a: {  	v11 =	vimm.f32 $0.0e+00;
	v25 =	vimm.f32 $0.0e+00;
	v26 =	vimm.f32 $0.0e+00  }
0x4b: {  	v24 =	vimm.f32 $0.0e+00;
	v10 =	vimm.f32 $0.0e+00;
	v6 =	vimm.f32 $0.0e+00  }
0x4c: {  	v16 =	vimm.f32 $0.0e+00;
	v29 =	vimm.s32 $0x0;
	v13 =	vimm.s32 $0x0  }
0x4d: {  	v31 =	vimm.s32 $0x0;
	v14 =	vimm.s32 $0x0;
	v4 =	vimm.s32 $0x0  }
0x4e: {  	[tilespmem:s3], [sflag:$0x1] =	stream.linear.gather [hbm4b:s5+s3], $0x2800, $0x38;
	v8 =	vimm.s32 $0x0;
	v17 =	vimm.s32 $0x0;
	v30 =	vimm.f32 $-3.000000010e+38;
	[tilespmem:$0x5200] =	vst v63  }
0x4f: {  	v12 =	vimm.f32 $-3.000000010e+38;
	v32 =	vimm.f32 $-3.000000010e+38;
	v34 =	vimm.f32 $-3.000000010e+38;
	s23 =	smov.u32 s13;
	s24 =	simm.s32 $0x0  }
0x50: {  	v33 =	vimm.f32 $-3.000000010e+38;
	v9 =	vimm.f32 $-3.000000010e+38;
	v15 =	vimm.f32 $-3.000000010e+38;
	[tilespmem:s14], [sflag:$0x2] =	stream.linear.gather [hbm4b:s7+s3], $0x2800, $0x38;
	[tilespmem:$0x5200] =	vst v63  }
.LBB2_2:
0x51: {  	_ =	swait.ge [sflag:s15], $0x2800  }
0x52: {  	[sflag:s15] =	ssyncset.done $0x0  }
0x53: {  	s28 =	simm.s32 $0x80;
	[sflag:s15] =	ssyncadd.s32 $0xFFFFD800  }
0x54: {  	v28 =	vld [tilespmem:s28+$0xFFFFFF80]  }
0x55: {  	v19 =	vld [tilespmem:s28+$0x30]  }
0x56: {  	v20 =	vld [tilespmem:s28+$0x20]  }
0x57: {  	v42 =	vld [tilespmem:s28+$0x10]  }
0x58: {  	v21 =	vld [tilespmem:s28+$0x40]  }
0x59: {  	v18 =	vld [tilespmem:s28+$0x60]  }
0x5a: {  	v44 =	vld [tilespmem:s28+$0xFFFFFFB0]  }
0x5b: {  	v45 =	vld [tilespmem:s28+$0xFFFFFFD0]  }
0x5c: {  	v47 =	vld [tilespmem:s28+$0xFFFFFFF0]  }
0x5d: {  	v48 =	vld [tilespmem:s28+$0x0]  }
0x5e: {  	v50 =	vld [tilespmem:s28+$0xFFFFFFA0]  }
0x5f: {  	v53 =	vld [tilespmem:s28+$0xFFFFFFC0]  }
0x60: {  	v58 =	vld [tilespmem:s28+$0xFFFFFFE0];
	v36 =	vmul.f32 $1.442695020e+00, v28;
	v37 =	vmul.f32 $1.442695020e+00, v19  }
0x61: {  	v43 =	vld [tilespmem:s28+$0x50];
	v38 =	vmul.f32 $1.442695020e+00, v42;
	v46 =	vmul.f32 $1.442695020e+00, v20  }
0x62: {  	vm0 =	vgt.f32 v28, v15;
	v63 =	vmul.f32 $1.442695020e+00, v21;
	v49 =	vmul.f32 $1.442695020e+00, v18  }
0x63: {  	v51 =	vmul.f32 $1.442695020e+00, v44;
	vm1 =	vgt.f32 v45, v12;
	v55 =	vmul.f32 $1.442695020e+00, v45  }
0x64: {  	s26 =	sadd.s32 $0xFFFFFFB0, s23;
	v56 =	vmul.f32 $1.442695020e+00, v47;
	vm3 =	vgt.f32 v47, v7;
	vm2 =	vgt.f32 v50, v33  }
0x65: {  	s25 =	sadd.s32 $0xB4F0, s26;
	vm5 =	vgt.f32 v53, v32;
	v40 =	vmul.f32 $1.442695020e+00, v48;
	v61 =	vmul.f32 $1.442695020e+00, v58  }
0x66: {  	v41 =	vsel vm0, s25, v17;
	v17 =	vmul.f32 $1.442695020e+00, v43;
	(erf) = vpow2.f32 v36  }
0x67: {  	v52 =	vsel vm0, v28, v15;
	vm0 =	vgt.f32 v44, v34;
	(erf) = vpow2.f32 v37  }
0x68: {  	v12 =	vsel vm1, v45, v12;
	v15 =	vsel vm5, s25, v31;
	(erf) = vpow2.f32 v38  }
0x69: {  	v4 =	vsel vm2, s25, v4;
	v31 =	vsel vm5, v53, v32;
	(erf) = vpow2.f32 v63  }
0x6a: {  	v60 =	vsel vm1, s25, v13;
	vm5 =	vgt.f32 v58, v30;
	(erf) = vpow2.f32 v17  }
0x6b: {  	v32 =	vld [tilespmem:s28+$0xFFFFFF90];
	v62 =	vsel vm3, v47, v7;
	v54 =	vsel vm0, s25, v14;
	v14 =	vsel vm0, v44, v34  }
0x6c: {  	vm6 =	vgt.f32 v48, v52;
	vm4 =	vgt.f32 v43, v12;
	v36 =	vsel vm2, v50, v33  }
0x6d: {  	vm1 =	vgt.f32 v21, v31;
	v29 =	vsel vm5, s25, v29;
	vm0 =	vgt.f32 v19, v14  }
0x6e: {  	s26 =	sadd.s32 $0xB4F1, s26;
	vm2 =	vgt.f32 v20, v36;
	v12 =	vsel vm4, v43, v12;
	v17 =	vmul.f32 $1.442695020e+00, v50  }
0x6f: {  	v59 =	vld [tilespmem:s28+$0x70];
	v4 =	vsel vm2, s26, v4;
	v13 =	vsel vm0, s26, v54;
	v57 =	vpop (erf);
	(erf) = vpow2.f32 v40  }
0x70: {  	v63 =	vmul.f32 $1.442695020e+00, v32;
	v40 =	vsel vm3, s25, v39;
	v34 =	vpop (erf);
	(erf) = vpow2.f32 v17  }
0x71: {  	v17 =	vsel vm6, v48, v52;
	v52 =	vadd.f32 v57, v16;
	v38 =	vpop (erf);
	(erf) = vpow2.f32 v55  }
0x72: {  	v16 =	vmul.f32 v57, v28;
	v28 =	vsel vm6, s26, v41;
	v33 =	vpop (erf);
	(erf) = vpow2.f32 v56  }
0x73: {  	vm6 =	vgt.f32 v32, v9;
	v57 =	vmul.f32 $1.442695020e+00, v53;
	v41 =	vpop (erf);
	(erf) = vpow2.f32 v49  }
0x74: {  	v35 =	vadd.f32 v16, v35;
	v16 =	vmul.f32 $1.442695020e+00, v59;
	(erf) = vpow2.f32 v46  }
0x75: {  	v37 =	vmul.f32 v34, v19;
	v9 =	vsel vm6, v32, v9;
	(erf) = vpow2.f32 v51  }
0x76: {  	v8 =	vsel vm6, s25, v8;
	vm3 =	vgt.f32 v42, v9;
	(erf) = vpow2.f32 v16  }
0x77: {  	v39 =	vmul.f32 v33, v21;
	v7 =	vsel vm3, v42, v9;
	(erf) = vpow2.f32 v57  }
0x78: {  	v8 =	vsel vm3, s26, v8;
	vm3 =	vgt.f32 v59, v62;
	v57 =	vpop (erf);
	(erf) = vpow2.f32 v61  }
0x79: {  	v54 =	vmul.f32 v41, v43;
	v43 =	vsel vm5, v58, v30;
	v61 =	vpop (erf);
	(erf) = vpow2.f32 v63  }
0x7a: {  	v30 =	vmul.f32 v38, v42;
	v9 =	vsel vm3, v59, v62;
	v16 =	vsel vm4, s26, v60;
	v62 =	vpop (erf)  }
0x7b: {  	vm4 =	vgt.f32 v18, v43;
	v51 =	vmul.f32 v57, v48;
	v10 =	vadd.f32 v61, v10;
	v63 =	vpop (erf)  }
0x7c: {  	v56 =	vmul.f32 v61, v50;
	v46 =	vadd.f32 v62, v25;
	v45 =	vmul.f32 v62, v45;
	v42 =	vpop (erf)  }
0x7d: {  	v25 =	vadd.f32 v57, v52;
	v47 =	vmul.f32 v63, v47;
	v22 =	vadd.f32 v63, v22;
	v57 =	vpop (erf)  }
0x7e: {  	v27 =	vadd.f32 v56, v27;
	v2 =	vadd.f32 v45, v2;
	v49 =	vmul.f32 v42, v18;
	v60 =	vpop (erf)  }
0x7f: {  	v1 =	vadd.f32 v47, v1;
	v10 =	vadd.f32 v57, v10;
	v61 =	vmul.f32 v60, v44;
	v44 =	vpop (erf)  }
0x80: {  	v2 =	vadd.f32 v54, v2;
	v24 =	vadd.f32 v60, v24;
	v62 =	vmul.f32 v44, v59;
	v63 =	vpop (erf)  }
0x81: {  	v50 =	vmul.f32 v57, v20;
	v23 =	vadd.f32 v61, v23;
	v47 =	vadd.f32 v63, v26;
	v54 =	vpop (erf)  }
0x82: {  	s29 =	simm.s32 $0x180;
	s28 =	simm.s32 $0xFFFFFFB2;
	s25 =	sshll.u32 s24, $0x1;
	v48 =	vmul.f32 v63, v53;
	v52 =	vmul.f32 v54, v58;
	v1 =	vadd.f32 v62, v1;
	v53 =	vpop (erf)  }
.LBB2_3:
0x83: {  	v55 =	vld [tilespmem:s29+$0xFFFFFF80];
	p1 =	sne.s32 s28, $0xFFFFFFFE;
	v26 =	vadd.f32 v41, v46;
	v43 =	vsel vm4, v18, v43;
	v22 =	vadd.f32 v44, v22;
	s30 =	smov.u32 s28;
	s28 =	sadd.s32 $0x2, s28  }
0x84: {  	v11 =	vadd.f32 v54, v11;
	v35 =	vadd.f32 v51, v35;
	v29 =	vsel vm4, s26, v29;
	v41 =	vld [tilespmem:s29+$0x30]  }
0x85: {  	v6 =	vadd.f32 v53, v6;
	v36 =	vsel vm2, v20, v36;
	v5 =	vadd.f32 v52, v5;
	v20 =	vld [tilespmem:s29+$0x20]  }
0x86: {  	v18 =	vmul.f32 v53, v32;
	v24 =	vadd.f32 v34, v24;
	v23 =	vadd.f32 v37, v23;
	v46 =	vld [tilespmem:s29+$0x10]  }
0x87: {  	v27 =	vadd.f32 v50, v27;
	v40 =	vsel vm3, s26, v40;
	v6 =	vadd.f32 v38, v6;
	v32 =	vld [tilespmem:s29+$0x40]  }
0x88: {  	v3 =	vadd.f32 v18, v3;
	v34 =	vmul.f32 $1.442695020e+00, v55;
	vm2 =	vgt.f32 v55, v17;
	v50 =	vld [tilespmem:s29+$0x50]  }
0x89: {  	v0 =	vadd.f32 v48, v0;
	v31 =	vsel vm1, v21, v31;
	v5 =	vadd.f32 v49, v5;
	v18 =	vld [tilespmem:s29+$0x60]  }
0x8a: {  	v3 =	vadd.f32 v30, v3;
	v37 =	vmul.f32 $1.442695020e+00, v41;
	v44 =	vld [tilespmem:s29+$0xFFFFFFB0];
	v51 =	vmul.f32 $1.442695020e+00, v20  }
0x8b: {  	v0 =	vadd.f32 v39, v0;
	v49 =	vld [tilespmem:s29+$0xFFFFFFD0];
	v30 =	vmul.f32 $1.442695020e+00, v46;
	(erf) = vpow2.f32 v34  }
0x8c: {  	v45 =	vadd.f32 v33, v47;
	v11 =	vadd.f32 v42, v11;
	v52 =	vld [tilespmem:s29+$0xFFFFFFF0];
	(erf) = vpow2.f32 v37;
	v21 =	vmovc v32  }
0x8d: {  	v14 =	vsel vm0, v19, v14;
	v15 =	vsel vm1, s26, v15;
	s31 =	sadd.s32 s30, s23;
	v19 =	vmovc v41;
	v42 =	vld [tilespmem:s29+$0x0];
	(erf) = vpow2.f32 v30  }
0x8e: {  	s30 =	sadd.s32 $0xB4F0, s31;
	v30 =	vmul.f32 $1.442695020e+00, v21;
	v53 =	vmul.f32 $1.442695020e+00, v18;
	v47 =	vld [tilespmem:s29+$0x70]  }
0x8f: {  	v28 =	vsel vm2, s30, v28;
	v33 =	vmul.f32 $1.442695020e+00, v50;
	v54 =	vld [tilespmem:s29+$0xFFFFFFA0];
	v56 =	vmul.f32 $1.442695020e+00, v44  }
0x90: {  	v17 =	vsel vm2, v55, v17;
	vm0 =	vgt.f32 v44, v14;
	v48 =	vld [tilespmem:s29+$0xFFFFFFC0];
	vm1 =	vgt.f32 v49, v12  }
0x91: {  	v13 =	vsel vm0, s30, v13;
	v57 =	vmul.f32 $1.442695020e+00, v49;
	v32 =	vld [tilespmem:s29+$0xFFFFFF90];
	(erf) = vpow2.f32 v30  }
0x92: {  	v14 =	vsel vm0, v44, v14;
	v12 =	vsel vm1, v49, v12;
	v58 =	vld [tilespmem:s29+$0xFFFFFFE0];
	(erf) = vpow2.f32 v33  }
0x93: {  	v30 =	vmul.f32 $1.442695020e+00, v52;
	vm4 =	vgt.f32 v52, v9;
	vm0 =	vgt.f32 v19, v14  }
0x94: {  	vm6 =	vgt.f32 v42, v17;
	v33 =	vmul.f32 $1.442695020e+00, v54;
	vm2 =	vgt.f32 v54, v36;
	v39 =	vpop (erf)  }
0x95: {  	v41 =	vmul.f32 $1.442695020e+00, v42;
	vm3 =	vgt.f32 v50, v12;
	vm5 =	vgt.f32 v48, v31;
	v34 =	vpop (erf)  }
0x96: {  	v36 =	vsel vm2, v54, v36;
	v15 =	vsel vm5, s30, v15;
	v37 =	vmul.f32 v34, v19;
	v38 =	vpop (erf)  }
0x97: {  	s26 =	sadd.s32 $0xB4F1, s31;
	v4 =	vsel vm2, s30, v4;
	v31 =	vsel vm5, v48, v31;
	vm2 =	vgt.f32 v20, v36  }
0x98: {  	v12 =	vsel vm3, v50, v12;
	v4 =	vsel vm2, s26, v4;
	(erf) = vpow2.f32 v41  }
0x99: {  	v16 =	vsel vm1, s30, v16;
	v40 =	vsel vm4, s30, v40;
	(erf) = vpow2.f32 v33  }
0x9a: {  	v13 =	vsel vm0, s26, v13;
	v17 =	vsel vm6, v42, v17;
	v59 =	vmul.f32 $1.442695020e+00, v58;
	v33 =	vpop (erf)  }
0x9b: {  	v25 =	vadd.f32 v39, v25;
	v55 =	vmul.f32 v39, v55;
	vm5 =	vgt.f32 v58, v43;
	v41 =	vpop (erf)  }
0x9c: {  	v28 =	vsel vm6, s26, v28;
	v39 =	vmul.f32 v33, v21;
	(erf) = vpow2.f32 v57  }
0x9d: {  	v35 =	vadd.f32 v55, v35;
	vm1 =	vgt.f32 v21, v31;
	(erf) = vpow2.f32 v30  }
0x9e: {  	vm6 =	vgt.f32 v32, v7;
	v30 =	vmul.f32 $1.442695020e+00, v47;
	(erf) = vpow2.f32 v53  }
0x9f: {  	v7 =	vsel vm6, v32, v7;
	v53 =	vmul.f32 v41, v50;
	(erf) = vpow2.f32 v51  }
0xa0: {  	v8 =	vsel vm6, s30, v8;
	v50 =	vmul.f32 $1.442695020e+00, v48;
	(erf) = vpow2.f32 v56  }
0xa1: {  	v9 =	vsel vm4, v52, v9;
	vm4 =	vgt.f32 v46, v7;
	v51 =	vpop (erf);
	(erf) = vpow2.f32 v30  }
0xa2: {  	v7 =	vsel vm4, v46, v7;
	v30 =	vmul.f32 $1.442695020e+00, v32;
	v55 =	vpop (erf);
	(erf) = vpow2.f32 v50  }
0xa3: {  	v16 =	vsel vm3, s26, v16;
	v8 =	vsel vm4, s26, v8;
	(erf) = vpow2.f32 v59  }
0xa4: {  	vm3 =	vgt.f32 v47, v9;
	v43 =	vsel vm5, v58, v43;
	(erf) = vpow2.f32 v30  }
0xa5: {  	v9 =	vsel vm3, v47, v9;
	vm4 =	vgt.f32 v18, v43;
	v30 =	vmul.f32 v38, v46;
	v50 =	vpop (erf)  }
0xa6: {  	v29 =	vsel vm5, s30, v29;
	v46 =	vadd.f32 v50, v26;
	v50 =	vmul.f32 v50, v49;
	v49 =	vpop (erf)  }
0xa7: {  	v25 =	vadd.f32 v51, v25;
	v51 =	vmul.f32 v51, v42;
	v52 =	vmul.f32 v49, v52;
	v42 =	vpop (erf)  }
0xa8: {  	v10 =	vadd.f32 v55, v10;
	v54 =	vmul.f32 v55, v54;
	v2 =	vadd.f32 v50, v2;
	v26 =	vpop (erf)  }
.Ltmp2:
0xa9: {  	v22 =	vadd.f32 v49, v22;
	v49 =	vmul.f32 v42, v18;
	v50 =	vmul.f32 v26, v20;
	v55 =	vpop (erf);
	(pc) =	sbr.rel @p1 .LBB2_3-.Ltmp2, $4  }
0xaa: {  	v27 =	vadd.f32 v54, v27;
	v56 =	vmul.f32 v55, v44;
	v2 =	vadd.f32 v53, v2;
	v44 =	vpop (erf)  }
0xab: {  	v1 =	vadd.f32 v52, v1;
	v24 =	vadd.f32 v55, v24;
	v55 =	vmul.f32 v44, v47;
	v52 =	vpop (erf)  }
0xac: {  	v23 =	vadd.f32 v56, v23;
	v47 =	vadd.f32 v52, v45;
	v48 =	vmul.f32 v52, v48;
	v54 =	vpop (erf)  }
0xad: {  	s29 =	sadd.s32 $0x100, s29;
	v10 =	vadd.f32 v26, v10;
	v52 =	vmul.f32 v54, v58;
	v1 =	vadd.f32 v55, v1;
	v53 =	vpop (erf)  }
0xae: {  	s28 =	sadd.s32 $0x2, s25  }
0xaf: {  	s28 =	smin.u32 s28, s6  }
0xb0: {  	s28 =	sadd.s32 s4, s28  }
0xb1: {  	s28 =	smul.u32 $0x2800, s28;
	_ =	sdelay $0x1  }
0xb2: {  	s28 =	sshrl.u32 s28, $0x3  }
0xb3: {  	s28 =	sadd.s32 s2, s28  }
0xb4: {  	[tilespmem:s3], [sflag:$0x1] =	stream.linear.gather [hbm4b:s28+s3], $0x2800, $0x38;
	[tilespmem:$0x5200] =	vst v63  }
0xb5: {  	_ =	swait.ge [sflag:s16], $0x2800  }
0xb6: {  	[sflag:s16] =	ssyncset.done $0x0  }
0xb7: {  	s29 =	simm.s32 $0x2880;
	[sflag:s16] =	ssyncadd.s32 $0xFFFFD800  }
0xb8: {  	v45 =	vadd.f32 v41, v46;
	v41 =	vld [tilespmem:s29+$0xFFFFFF80]  }
0xb9: {  	v43 =	vsel vm4, v18, v43;
	v32 =	vmul.f32 v53, v32;
	v18 =	vld [tilespmem:s29+$0x30]  }
0xba: {  	v46 =	vadd.f32 v51, v35;
	v51 =	vsel vm4, s26, v29;
	v29 =	vadd.f32 v52, v5;
	v52 =	vld [tilespmem:s29+$0x10]  }
0xbb: {  	v26 =	vadd.f32 v54, v11;
	v3 =	vadd.f32 v32, v3;
	v11 =	vld [tilespmem:s29+$0x40]  }
0xbc: {  	v0 =	vadd.f32 v48, v0;
	v31 =	vsel vm1, v21, v31;
	v21 =	vld [tilespmem:s29+$0x60]  }
0xbd: {  	v3 =	vadd.f32 v30, v3;
	v30 =	vld [tilespmem:s29+$0xFFFFFFB0]  }
0xbe: {  	v22 =	vadd.f32 v44, v22;
	v0 =	vadd.f32 v39, v0;
	v39 =	vld [tilespmem:s29+$0xFFFFFFD0]  }
0xbf: {  	v6 =	vadd.f32 v53, v6;
	v48 =	vadd.f32 v33, v47;
	v47 =	vld [tilespmem:s29+$0xFFFFFFF0]  }
0xc0: {  	v44 =	vadd.f32 v34, v24;
	v24 =	vsel vm2, v20, v36;
	v20 =	vadd.f32 v49, v29;
	v49 =	vld [tilespmem:s29+$0x0]  }
0xc1: {  	v35 =	vadd.f32 v37, v23;
	v37 =	vadd.f32 v50, v27;
	v53 =	vld [tilespmem:s29+$0xFFFFFFA0]  }
0xc2: {  	v62 =	vsel vm3, s26, v40;
	v14 =	vsel vm0, v19, v14;
	v15 =	vsel vm1, s26, v15;
	v55 =	vld [tilespmem:s29+$0xFFFFFFC0]  }
0xc3: {  	v6 =	vadd.f32 v38, v6;
	v58 =	vld [tilespmem:s29+$0xFFFFFFE0];
	v23 =	vmul.f32 $1.442695020e+00, v41;
	v27 =	vmul.f32 $1.442695020e+00, v18  }
0xc4: {  	v29 =	vmul.f32 $1.442695020e+00, v52;
	vm0 =	vgt.f32 v41, v17;
	v19 =	vmul.f32 $1.442695020e+00, v11  }
0xc5: {  	v50 =	vmul.f32 $1.442695020e+00, v21;
	v54 =	vmul.f32 $1.442695020e+00, v30;
	vm1 =	vgt.f32 v39, v12  }
0xc6: {  	s31 =	sadd.s32 $0xFFFFFFB0, s23;
	v40 =	vld [tilespmem:s29+$0x50];
	v38 =	vmul.f32 $1.442695020e+00, v39;
	v56 =	vmul.f32 $1.442695020e+00, v47;
	vm3 =	vgt.f32 v47, v9  }
0xc7: {  	s28 =	sadd.s32 $0xB540, s31;
	vm2 =	vgt.f32 v53, v24;
	vm5 =	vgt.f32 v55, v31;
	v63 =	vmul.f32 $1.442695020e+00, v49  }
0xc8: {  	v5 =	vld [tilespmem:s29+$0x20];
	v60 =	vmul.f32 $1.442695020e+00, v58;
	v36 =	vsel vm0, s28, v28;
	v17 =	vsel vm0, v41, v17  }
0xc9: {  	vm0 =	vgt.f32 v30, v14;
	v12 =	vsel vm1, v39, v12;
	(erf) = vpow2.f32 v23  }
0xca: {  	v32 =	vsel vm2, v53, v24;
	v28 =	vsel vm5, s28, v15;
	(erf) = vpow2.f32 v27  }
0xcb: {  	v23 =	vadd.f32 v42, v26;
	v26 =	vmul.f32 $1.442695020e+00, v40;
	(erf) = vpow2.f32 v29  }
0xcc: {  	v4 =	vsel vm2, s28, v4;
	v16 =	vsel vm1, s28, v16;
	(erf) = vpow2.f32 v19  }
0xcd: {  	v24 =	vld [tilespmem:s29+$0xFFFFFF90];
	v34 =	vsel vm3, s28, v62;
	v42 =	vmul.f32 $1.442695020e+00, v5;
	(erf) = vpow2.f32 v26  }
0xce: {  	s26 =	sadd.s32 $0xB541, s31;
	v13 =	vsel vm0, s28, v13;
	vm4 =	vgt.f32 v40, v12;
	vm2 =	vgt.f32 v5, v32  }
0xcf: {  	vm6 =	vgt.f32 v49, v17;
	v4 =	vsel vm2, s26, v4;
	v12 =	vsel vm4, v40, v12  }
0xd0: {  	v15 =	vsel vm6, v49, v17;
	v17 =	vsel vm6, s26, v36;
	v19 =	vsel vm0, v30, v14  }
0xd1: {  	v14 =	vmul.f32 $1.442695020e+00, v53;
	vm0 =	vgt.f32 v18, v19;
	v26 =	vsel vm5, v55, v31  }
0xd2: {  	v59 =	vld [tilespmem:s29+$0x70];
	vm5 =	vgt.f32 v58, v43;
	vm6 =	vgt.f32 v24, v7;
	v57 =	vpop (erf);
	(erf) = vpow2.f32 v63  }
0xd3: {  	v61 =	vmul.f32 $1.442695020e+00, v24;
	vm1 =	vgt.f32 v11, v26;
	v27 =	vpop (erf);
	(erf) = vpow2.f32 v14  }
0xd4: {  	v7 =	vsel vm6, v24, v7;
	v8 =	vsel vm6, s28, v8;
	v33 =	vpop (erf);
	(erf) = vpow2.f32 v38  }
0xd5: {  	v14 =	vsel vm0, s26, v13;
	v13 =	vmul.f32 v57, v41;
	v31 =	vpop (erf);
	(erf) = vpow2.f32 v56  }
0xd6: {  	v25 =	vadd.f32 v57, v25;
	v57 =	vsel vm3, v47, v9;
	v41 =	vpop (erf);
	(erf) = vpow2.f32 v50  }
0xd7: {  	v38 =	vadd.f32 v13, v46;
	v13 =	vmul.f32 $1.442695020e+00, v59;
	(erf) = vpow2.f32 v42  }
0xd8: {  	vm3 =	vgt.f32 v52, v7;
	v50 =	vmul.f32 $1.442695020e+00, v55;
	(erf) = vpow2.f32 v54  }
0xd9: {  	v29 =	vmul.f32 v27, v18;
	v9 =	vsel vm3, v52, v7;
	(erf) = vpow2.f32 v13  }
0xda: {  	v8 =	vsel vm3, s26, v8;
	vm3 =	vgt.f32 v59, v57;
	(erf) = vpow2.f32 v50  }
0xdb: {  	v7 =	vsel vm3, v59, v57;
	v36 =	vmul.f32 v31, v11;
	v62 =	vpop (erf);
	(erf) = vpow2.f32 v60  }
0xdc: {  	v56 =	vmul.f32 v41, v40;
	v40 =	vsel vm5, v58, v43;
	v63 =	vpop (erf);
	(erf) = vpow2.f32 v61  }
0xdd: {  	v43 =	vmul.f32 v33, v52;
	v13 =	vsel vm4, s26, v16;
	vm4 =	vgt.f32 v21, v40;
	v16 =	vpop (erf)  }
0xde: {  	v10 =	vadd.f32 v63, v10;
	v45 =	vadd.f32 v16, v45;
	v57 =	vmul.f32 v16, v39;
	v60 =	vpop (erf)  }
0xdf: {  	v39 =	vsel vm5, s28, v51;
	v16 =	vadd.f32 v62, v25;
	v25 =	vmul.f32 v63, v53;
	v46 =	vpop (erf)  }
0xe0: {  	v51 =	vmul.f32 v62, v49;
	v47 =	vmul.f32 v60, v47;
	v22 =	vadd.f32 v60, v22;
	v61 =	vpop (erf)  }
0xe1: {  	v2 =	vadd.f32 v57, v2;
	v49 =	vmul.f32 v46, v21;
	v37 =	vadd.f32 v25, v37;
	v62 =	vpop (erf)  }
0xe2: {  	v1 =	vadd.f32 v47, v1;
	v10 =	vadd.f32 v61, v10;
	v25 =	vmul.f32 v62, v30;
	v53 =	vpop (erf)  }
0xe3: {  	v2 =	vadd.f32 v56, v2;
	v52 =	vadd.f32 v62, v44;
	v63 =	vmul.f32 v53, v59;
	v30 =	vpop (erf)  }
0xe4: {  	v50 =	vmul.f32 v61, v5;
	v47 =	vadd.f32 v25, v35;
	v44 =	vadd.f32 v30, v48;
	v54 =	vpop (erf)  }
0xe5: {  	s29 =	simm.s32 $0x2980;
	s28 =	simm.s32 $0xFFFFFFB2;
	v42 =	vmul.f32 v30, v55;
	v30 =	vmul.f32 v54, v58;
	v1 =	vadd.f32 v63, v1;
	v48 =	vpop (erf)  }
.LBB2_5:
0xe6: {  	v55 =	vld [tilespmem:s29+$0xFFFFFF80];
	p1 =	sne.s32 s28, $0xFFFFFFFE;
	v35 =	vadd.f32 v41, v45;
	v40 =	vsel vm4, v21, v40;
	v22 =	vadd.f32 v53, v22;
	s30 =	smov.u32 s28;
	s28 =	sadd.s32 $0x2, s28  }
0xe7: {  	v23 =	vadd.f32 v54, v23;
	v38 =	vadd.f32 v51, v38;
	v39 =	vsel vm4, s26, v39;
	v41 =	vld [tilespmem:s29+$0x30]  }
0xe8: {  	v6 =	vadd.f32 v48, v6;
	v32 =	vsel vm2, v5, v32;
	v20 =	vadd.f32 v30, v20;
	v5 =	vld [tilespmem:s29+$0x20]  }
0xe9: {  	v21 =	vmul.f32 v48, v24;
	v25 =	vadd.f32 v29, v47;
	v30 =	vadd.f32 v27, v52;
	v45 =	vld [tilespmem:s29+$0x10]  }
0xea: {  	v37 =	vadd.f32 v50, v37;
	v34 =	vsel vm3, s26, v34;
	v6 =	vadd.f32 v33, v6;
	v24 =	vld [tilespmem:s29+$0x40]  }
0xeb: {  	v3 =	vadd.f32 v21, v3;
	v27 =	vmul.f32 $1.442695020e+00, v55;
	vm2 =	vgt.f32 v55, v15;
	v50 =	vld [tilespmem:s29+$0x50]  }
0xec: {  	v0 =	vadd.f32 v42, v0;
	v26 =	vsel vm1, v11, v26;
	v20 =	vadd.f32 v49, v20;
	v21 =	vld [tilespmem:s29+$0x60]  }
0xed: {  	v3 =	vadd.f32 v43, v3;
	v33 =	vmul.f32 $1.442695020e+00, v41;
	v42 =	vld [tilespmem:s29+$0xFFFFFFB0];
	v51 =	vmul.f32 $1.442695020e+00, v5  }
0xee: {  	v0 =	vadd.f32 v36, v0;
	v49 =	vld [tilespmem:s29+$0xFFFFFFD0];
	v29 =	vmul.f32 $1.442695020e+00, v45;
	(erf) = vpow2.f32 v27  }
0xef: {  	v44 =	vadd.f32 v31, v44;
	v23 =	vadd.f32 v46, v23;
	v52 =	vld [tilespmem:s29+$0xFFFFFFF0];
	(erf) = vpow2.f32 v33;
	v11 =	vmovc v24  }
0xf0: {  	v19 =	vsel vm0, v18, v19;
	v28 =	vsel vm1, s26, v28;
	s31 =	sadd.s32 s30, s23;
	v18 =	vmovc v41;
	v46 =	vld [tilespmem:s29+$0x0];
	(erf) = vpow2.f32 v29  }
0xf1: {  	s30 =	sadd.s32 $0xB540, s31;
	v27 =	vmul.f32 $1.442695020e+00, v11;
	v43 =	vmul.f32 $1.442695020e+00, v21;
	v47 =	vld [tilespmem:s29+$0x70]  }
0xf2: {  	v17 =	vsel vm2, s30, v17;
	v29 =	vmul.f32 $1.442695020e+00, v50;
	v53 =	vld [tilespmem:s29+$0xFFFFFFA0];
	v54 =	vmul.f32 $1.442695020e+00, v42  }
0xf3: {  	v15 =	vsel vm2, v55, v15;
	vm0 =	vgt.f32 v42, v19;
	v48 =	vld [tilespmem:s29+$0xFFFFFFC0];
	vm1 =	vgt.f32 v49, v12  }
0xf4: {  	v14 =	vsel vm0, s30, v14;
	v56 =	vmul.f32 $1.442695020e+00, v49;
	v24 =	vld [tilespmem:s29+$0xFFFFFF90];
	(erf) = vpow2.f32 v27  }
0xf5: {  	v19 =	vsel vm0, v42, v19;
	v12 =	vsel vm1, v49, v12;
	v57 =	vld [tilespmem:s29+$0xFFFFFFE0];
	(erf) = vpow2.f32 v29  }
0xf6: {  	v58 =	vmul.f32 $1.442695020e+00, v52;
	vm4 =	vgt.f32 v52, v7;
	vm0 =	vgt.f32 v18, v19  }
0xf7: {  	vm6 =	vgt.f32 v46, v15;
	v31 =	vmul.f32 $1.442695020e+00, v53;
	vm2 =	vgt.f32 v53, v32;
	v36 =	vpop (erf)  }
0xf8: {  	v41 =	vmul.f32 $1.442695020e+00, v46;
	vm3 =	vgt.f32 v50, v12;
	vm5 =	vgt.f32 v48, v26;
	v27 =	vpop (erf)  }
0xf9: {  	v32 =	vsel vm2, v53, v32;
	v28 =	vsel vm5, s30, v28;
	v29 =	vmul.f32 v27, v18;
	v33 =	vpop (erf)  }
0xfa: {  	s26 =	sadd.s32 $0xB541, s31;
	v4 =	vsel vm2, s30, v4;
	v26 =	vsel vm5, v48, v26;
	vm2 =	vgt.f32 v5, v32  }
0xfb: {  	v12 =	vsel vm3, v50, v12;
	v4 =	vsel vm2, s26, v4;
	(erf) = vpow2.f32 v41  }
0xfc: {  	v13 =	vsel vm1, s30, v13;
	v34 =	vsel vm4, s30, v34;
	(erf) = vpow2.f32 v31  }
0xfd: {  	v14 =	vsel vm0, s26, v14;
	v15 =	vsel vm6, v46, v15;
	v59 =	vmul.f32 $1.442695020e+00, v57;
	v31 =	vpop (erf)  }
0xfe: {  	v16 =	vadd.f32 v36, v16;
	v55 =	vmul.f32 v36, v55;
	vm5 =	vgt.f32 v57, v40;
	v41 =	vpop (erf)  }
0xff: {  	v17 =	vsel vm6, s26, v17;
	v36 =	vmul.f32 v31, v11;
	(erf) = vpow2.f32 v56  }
0x100: {  	v38 =	vadd.f32 v55, v38;
	vm1 =	vgt.f32 v11, v26;
	(erf) = vpow2.f32 v58  }
0x101: {  	vm6 =	vgt.f32 v24, v9;
	v55 =	vmul.f32 $1.442695020e+00, v47;
	(erf) = vpow2.f32 v43  }
0x102: {  	v9 =	vsel vm6, v24, v9;
	v56 =	vmul.f32 v41, v50;
	(erf) = vpow2.f32 v51  }
0x103: {  	v8 =	vsel vm6, s30, v8;
	v43 =	vmul.f32 $1.442695020e+00, v48;
	(erf) = vpow2.f32 v54  }
0x104: {  	v7 =	vsel vm4, v52, v7;
	vm4 =	vgt.f32 v45, v9;
	v50 =	vpop (erf);
	(erf) = vpow2.f32 v55  }
0x105: {  	v9 =	vsel vm4, v45, v9;
	v55 =	vmul.f32 $1.442695020e+00, v24;
	v54 =	vpop (erf);
	(erf) = vpow2.f32 v43  }
0x106: {  	v13 =	vsel vm3, s26, v13;
	v8 =	vsel vm4, s26, v8;
	(erf) = vpow2.f32 v59  }
0x107: {  	vm3 =	vgt.f32 v47, v7;
	v40 =	vsel vm5, v57, v40;
	(erf) = vpow2.f32 v55  }
0x108: {  	v7 =	vsel vm3, v47, v7;
	vm4 =	vgt.f32 v21, v40;
	v43 =	vmul.f32 v33, v45;
	v51 =	vpop (erf)  }
0x109: {  	v39 =	vsel vm5, s30, v39;
	v45 =	vadd.f32 v51, v35;
	v58 =	vmul.f32 v51, v49;
	v49 =	vpop (erf)  }
0x10a: {  	v16 =	vadd.f32 v50, v16;
	v51 =	vmul.f32 v50, v46;
	v55 =	vmul.f32 v49, v52;
	v46 =	vpop (erf)  }
0x10b: {  	v10 =	vadd.f32 v54, v10;
	v52 =	vmul.f32 v54, v53;
	v2 =	vadd.f32 v58, v2;
	v35 =	vpop (erf)  }
.Ltmp3:
0x10c: {  	v22 =	vadd.f32 v49, v22;
	v49 =	vmul.f32 v46, v21;
	v50 =	vmul.f32 v35, v5;
	v54 =	vpop (erf);
	(pc) =	sbr.rel @p1 .LBB2_5-.Ltmp3, $4  }
0x10d: {  	v37 =	vadd.f32 v52, v37;
	v42 =	vmul.f32 v54, v42;
	v2 =	vadd.f32 v56, v2;
	v53 =	vpop (erf)  }
0x10e: {  	v1 =	vadd.f32 v55, v1;
	v52 =	vadd.f32 v54, v30;
	v55 =	vmul.f32 v53, v47;
	v30 =	vpop (erf)  }
0x10f: {  	v47 =	vadd.f32 v42, v25;
	v44 =	vadd.f32 v30, v44;
	v42 =	vmul.f32 v30, v48;
	v54 =	vpop (erf)  }
0x110: {  	s29 =	sadd.s32 $0x100, s29;
	v10 =	vadd.f32 v35, v10;
	v30 =	vmul.f32 v54, v57;
	v1 =	vadd.f32 v55, v1;
	v48 =	vpop (erf)  }
0x111: {  	s25 =	sadd.s32 $0x3, s25;
	v25 =	vadd.f32 v41, v45;
	v22 =	vadd.f32 v53, v22  }
0x112: {  	v62 =	vadd.f32 v54, v23;
	v35 =	vadd.f32 v51, v38;
	s25 =	smin.u32 s25, s6  }
0x113: {  	v6 =	vadd.f32 v48, v6;
	v63 =	vmul.f32 v48, v24;
	v24 =	vadd.f32 v27, v52;
	s24 =	sadd.s32 $0x1, s24;
	s25 =	sadd.s32 s4, s25  }
0x114: {  	v23 =	vadd.f32 v29, v47;
	v29 =	vsel vm4, s26, v39;
	v27 =	vadd.f32 v50, v37;
	p1 =	sne.s32 s24, $0xA;
	s25 =	smul.u32 $0x2800, s25  }
.Ltmp4:
0x115: {  	v0 =	vadd.f32 v42, v0;
	v39 =	vsel vm3, s26, v34;
	v34 =	vsel vm0, v18, v19;
	(pc) =	sbr.rel @p1 .LBB2_2-.Ltmp4, $4  }
0x116: {  	v20 =	vadd.f32 v30, v20;
	v30 =	vsel vm4, v21, v40;
	v6 =	vadd.f32 v33, v6  }
0x117: {  	v3 =	vadd.f32 v63, v3;
	v33 =	vsel vm2, v5, v32;
	v0 =	vadd.f32 v36, v0;
	s25 =	sshrl.u32 s25, $0x3  }
0x118: {  	s23 =	sadd.s32 $0xA0, s23;
	v32 =	vsel vm1, v11, v26;
	v26 =	vadd.f32 v31, v44;
	v11 =	vadd.f32 v46, v62;
	s25 =	sadd.s32 s2, s25  }
0x119: {  	v31 =	vsel vm1, s26, v28;
	v5 =	vadd.f32 v49, v20;
	v3 =	vadd.f32 v43, v3;
	[tilespmem:s14], [sflag:$0x2] =	stream.linear.gather [hbm4b:s25+s3], $0x2800, $0x38;
	[tilespmem:$0x5200] =	vst v63  }
.Ltmp5:
0x11a: {  	(pc) =	sbr.rel @p0 .LBB2_11-.Ltmp5, $4  }
0x11b: {  	_ = 	snop  }
0x11c: {  	_ =	swait.ge [sflag:s15], $0x2800  }
0x11d: {  	[sflag:s15] =	ssyncset.done $0x0  }
0x11e: {  	[sflag:s15] =	ssyncadd.s32 $0xFFFFD800  }
0x11f: {  	s25 =	simm.s32 $0x80  }
0x120: {  	v41 =	vld [tilespmem:s25+$0xFFFFFF80]  }
0x121: {  	v18 =	vld [tilespmem:s25+$0x30]  }
0x122: {  	v19 =	vld [tilespmem:s25+$0x20]  }
0x123: {  	v43 =	vld [tilespmem:s25+$0x10]  }
0x124: {  	v20 =	vld [tilespmem:s25+$0x40]  }
0x125: {  	v44 =	vld [tilespmem:s25+$0x50]  }
0x126: {  	v21 =	vld [tilespmem:s25+$0x60]  }
0x127: {  	v47 =	vld [tilespmem:s25+$0xFFFFFFB0]  }
0x128: {  	v46 =	vld [tilespmem:s25+$0xFFFFFFD0]  }
0x129: {  	v48 =	vld [tilespmem:s25+$0xFFFFFFF0]  }
0x12a: {  	v49 =	vld [tilespmem:s25+$0x0]  }
0x12b: {  	v51 =	vld [tilespmem:s25+$0xFFFFFFA0];
	v28 =	vmul.f32 $1.442695020e+00, v41  }
0x12c: {  	v54 =	vld [tilespmem:s25+$0xFFFFFFC0];
	v36 =	vmul.f32 $1.442695020e+00, v18;
	v37 =	vmul.f32 $1.442695020e+00, v43  }
0x12d: {  	v56 =	vld [tilespmem:s25+$0xFFFFFFE0];
	v45 =	vmul.f32 $1.442695020e+00, v19;
	v50 =	vmul.f32 $1.442695020e+00, v21  }
0x12e: {  	v57 =	vld [tilespmem:s25+$0x70];
	v52 =	vmul.f32 $1.442695020e+00, v47;
	v62 =	vmul.f32 $1.442695020e+00, v44  }
0x12f: {  	vm0 =	vgt.f32 v41, v15;
	v42 =	vmul.f32 $1.442695020e+00, v46;
	v53 =	vmul.f32 $1.442695020e+00, v48  }
0x130: {  	vm1 =	vgt.f32 v46, v12;
	v63 =	vmul.f32 $1.442695020e+00, v51;
	(erf) = vpow2.f32 v28  }
0x131: {  	vm3 =	vgt.f32 v48, v7;
	v40 =	vmul.f32 $1.442695020e+00, v49;
	(erf) = vpow2.f32 v36  }
0x132: {  	s23 =	sadd.s32 $0xFFFFFFB0, s13;
	vm2 =	vgt.f32 v51, v33;
	v58 =	vmul.f32 $1.442695020e+00, v56;
	(erf) = vpow2.f32 v37  }
0x133: {  	s24 =	sadd.s32 $0xBB30, s23;
	vm5 =	vgt.f32 v54, v32;
	v60 =	vmul.f32 $1.442695020e+00, v57;
	v28 =	vmul.f32 $1.442695020e+00, v20  }
0x134: {  	v61 =	vmul.f32 $1.442695020e+00, v54;
	v17 =	vsel vm0, s24, v17;
	v15 =	vsel vm0, v41, v15  }
0x135: {  	vm0 =	vgt.f32 v47, v34;
	v12 =	vsel vm1, v46, v12;
	(erf) = vpow2.f32 v28  }
0x136: {  	v31 =	vsel vm5, s24, v31;
	v4 =	vsel vm2, s24, v4;
	(erf) = vpow2.f32 v62  }
0x137: {  	v32 =	vsel vm5, v54, v32;
	v13 =	vsel vm1, s24, v13;
	vm5 =	vgt.f32 v56, v30  }
0x138: {  	v7 =	vsel vm3, v48, v7;
	v14 =	vsel vm0, s24, v14;
	vm6 =	vgt.f32 v49, v15  }
0x139: {  	vm4 =	vgt.f32 v44, v12;
	v37 =	vsel vm2, v51, v33;
	v33 =	vld [tilespmem:s25+$0xFFFFFF90];
	v55 =	vpop (erf);
	(erf) = vpow2.f32 v40  }
0x13a: {  	vm1 =	vgt.f32 v20, v32;
	v28 =	vsel vm0, v47, v34;
	v34 =	vpop (erf);
	(erf) = vpow2.f32 v63  }
0x13b: {  	s23 =	sadd.s32 $0xBB31, s23;
	v12 =	vsel vm4, v44, v12;
	v40 =	vsel vm3, s24, v39;
	v39 =	vpop (erf);
	(erf) = vpow2.f32 v42  }
0x13c: {  	v15 =	vsel vm6, v49, v15;
	v17 =	vsel vm6, s23, v17;
	vm2 =	vgt.f32 v19, v37  }
0x13d: {  	v13 =	vsel vm4, s23, v13;
	vm0 =	vgt.f32 v18, v28;
	v4 =	vsel vm2, s23, v4  }
0x13e: {  	v14 =	vsel vm0, s23, v14;
	vm6 =	vgt.f32 v33, v9;
	v36 =	vpop (erf);
	(erf) = vpow2.f32 v53  }
0x13f: {  	v62 =	vmul.f32 $1.442695020e+00, v33;
	v9 =	vsel vm6, v33, v9;
	v42 =	vpop (erf);
	(erf) = vpow2.f32 v50  }
0x140: {  	v8 =	vsel vm6, s24, v8;
	vm3 =	vgt.f32 v43, v9;
	(erf) = vpow2.f32 v45  }
0x141: {  	v16 =	vadd.f32 v55, v16;
	v55 =	vmul.f32 v55, v41;
	(erf) = vpow2.f32 v52  }
0x142: {  	v9 =	vsel vm3, v43, v9;
	v8 =	vsel vm3, s23, v8;
	(erf) = vpow2.f32 v60;
	v63 =	vpop (erf)  }
0x143: {  	vm3 =	vgt.f32 v57, v7;
	v38 =	vmul.f32 v34, v18;
	(erf) = vpow2.f32 v61;
	v60 =	vpop (erf)  }
0x144: {  	v7 =	vsel vm3, v57, v7;
	v50 =	vsel vm5, v56, v30;
	(erf) = vpow2.f32 v58;
	v30 =	vpop (erf)  }
0x145: {  	(erf) = vpow2.f32 v62;
	v25 =	vadd.f32 v30, v25;
	v30 =	vmul.f32 v30, v46  }
0x146: {  	v35 =	vadd.f32 v55, v35;
	v41 =	vmul.f32 v36, v20;
	v55 =	vmul.f32 v42, v44  }
0x147: {  	v45 =	vmul.f32 v39, v43;
	vm4 =	vgt.f32 v21, v50;
	v44 =	vsel vm5, s24, v29;
	v29 =	vpop (erf)  }
0x148: {  	v16 =	vadd.f32 v63, v16;
	v53 =	vmul.f32 v63, v49;
	v62 =	vmul.f32 v60, v51;
	v46 =	vpop (erf)  }
0x149: {  	v10 =	vadd.f32 v60, v10;
	v61 =	vmul.f32 v29, v48;
	v2 =	vadd.f32 v30, v2;
	v30 =	vpop (erf)  }
0x14a: {  	v22 =	vadd.f32 v29, v22;
	v52 =	vadd.f32 v62, v27;
	v49 =	vmul.f32 v46, v21;
	v29 =	vpop (erf)  }
0x14b: {  	v1 =	vadd.f32 v61, v1;
	v2 =	vadd.f32 v55, v2;
	v47 =	vmul.f32 v29, v47;
	v27 =	vpop (erf)  }
0x14c: {  	v10 =	vadd.f32 v30, v10;
	v24 =	vadd.f32 v29, v24;
	v29 =	vmul.f32 v27, v57;
	v63 =	vpop (erf)  }
0x14d: {  	v51 =	vmul.f32 v30, v19;
	v23 =	vadd.f32 v47, v23;
	v43 =	vadd.f32 v63, v26;
	v48 =	vpop (erf)  }
0x14e: {  	s25 =	simm.s32 $0x180;
	s24 =	simm.s32 $0xFFFFFFB2;
	v47 =	vmul.f32 v63, v54;
	v26 =	vmul.f32 v48, v56;
	v1 =	vadd.f32 v29, v1;
	v30 =	vpop (erf)  }
.LBB2_9:
0x14f: {  	v54 =	vld [tilespmem:s25+$0xFFFFFF80];
	p1 =	sne.s32 s24, $0xFFFFFFFE;
	v25 =	vadd.f32 v42, v25;
	v29 =	vsel vm4, v21, v50;
	v22 =	vadd.f32 v27, v22;
	s26 =	smov.u32 s24;
	s24 =	sadd.s32 $0x2, s24  }
0x150: {  	v11 =	vadd.f32 v48, v11;
	v35 =	vadd.f32 v53, v35;
	v27 =	vsel vm4, s23, v44;
	v42 =	vld [tilespmem:s25+$0x30]  }
0x151: {  	v6 =	vadd.f32 v30, v6;
	v37 =	vsel vm2, v19, v37;
	v5 =	vadd.f32 v26, v5;
	v19 =	vld [tilespmem:s25+$0x20]  }
0x152: {  	v21 =	vmul.f32 v30, v33;
	v24 =	vadd.f32 v34, v24;
	v23 =	vadd.f32 v38, v23;
	v44 =	vld [tilespmem:s25+$0x10]  }
0x153: {  	v40 =	vsel vm3, s23, v40;
	v26 =	vadd.f32 v51, v52;
	v6 =	vadd.f32 v39, v6;
	v33 =	vld [tilespmem:s25+$0x40]  }
0x154: {  	v3 =	vadd.f32 v21, v3;
	v34 =	vmul.f32 $1.442695020e+00, v54;
	vm2 =	vgt.f32 v54, v15;
	v50 =	vld [tilespmem:s25+$0x50]  }
0x155: {  	v0 =	vadd.f32 v47, v0;
	v32 =	vsel vm1, v20, v32;
	v5 =	vadd.f32 v49, v5;
	v21 =	vld [tilespmem:s25+$0x60]  }
0x156: {  	v3 =	vadd.f32 v45, v3;
	v39 =	vmul.f32 $1.442695020e+00, v42;
	v30 =	vld [tilespmem:s25+$0xFFFFFFB0];
	v51 =	vmul.f32 $1.442695020e+00, v19  }
0x157: {  	v0 =	vadd.f32 v41, v0;
	v49 =	vld [tilespmem:s25+$0xFFFFFFD0];
	v38 =	vmul.f32 $1.442695020e+00, v44;
	(erf) = vpow2.f32 v34  }
0x158: {  	v43 =	vadd.f32 v36, v43;
	v11 =	vadd.f32 v46, v11;
	v52 =	vld [tilespmem:s25+$0xFFFFFFF0];
	(erf) = vpow2.f32 v39;
	v20 =	vmovc v33  }
0x159: {  	v28 =	vsel vm0, v18, v28;
	v31 =	vsel vm1, s23, v31;
	s28 =	sadd.s32 s26, s13;
	v18 =	vmovc v42;
	v46 =	vld [tilespmem:s25+$0x0];
	(erf) = vpow2.f32 v38  }
0x15a: {  	s26 =	sadd.s32 $0xBB30, s28;
	v34 =	vmul.f32 $1.442695020e+00, v20;
	v45 =	vmul.f32 $1.442695020e+00, v21;
	v47 =	vld [tilespmem:s25+$0x70]  }
0x15b: {  	v17 =	vsel vm2, s26, v17;
	v36 =	vmul.f32 $1.442695020e+00, v50;
	v55 =	vld [tilespmem:s25+$0xFFFFFFA0];
	v53 =	vmul.f32 $1.442695020e+00, v30  }
0x15c: {  	v15 =	vsel vm2, v54, v15;
	vm0 =	vgt.f32 v30, v28;
	v48 =	vld [tilespmem:s25+$0xFFFFFFC0];
	vm1 =	vgt.f32 v49, v12  }
0x15d: {  	v14 =	vsel vm0, s26, v14;
	v56 =	vmul.f32 $1.442695020e+00, v49;
	v33 =	vld [tilespmem:s25+$0xFFFFFF90];
	(erf) = vpow2.f32 v34  }
0x15e: {  	v28 =	vsel vm0, v30, v28;
	v12 =	vsel vm1, v49, v12;
	v57 =	vld [tilespmem:s25+$0xFFFFFFE0];
	(erf) = vpow2.f32 v36  }
0x15f: {  	v58 =	vmul.f32 $1.442695020e+00, v52;
	vm4 =	vgt.f32 v52, v7;
	vm0 =	vgt.f32 v18, v28  }
0x160: {  	vm6 =	vgt.f32 v46, v15;
	v36 =	vmul.f32 $1.442695020e+00, v55;
	vm2 =	vgt.f32 v55, v37;
	v41 =	vpop (erf)  }
0x161: {  	v42 =	vmul.f32 $1.442695020e+00, v46;
	vm3 =	vgt.f32 v50, v12;
	vm5 =	vgt.f32 v48, v32;
	v34 =	vpop (erf)  }
0x162: {  	v37 =	vsel vm2, v55, v37;
	v31 =	vsel vm5, s26, v31;
	v38 =	vmul.f32 v34, v18;
	v39 =	vpop (erf)  }
0x163: {  	s23 =	sadd.s32 $0xBB31, s28;
	v4 =	vsel vm2, s26, v4;
	v32 =	vsel vm5, v48, v32;
	vm2 =	vgt.f32 v19, v37  }
0x164: {  	v12 =	vsel vm3, v50, v12;
	v4 =	vsel vm2, s23, v4;
	(erf) = vpow2.f32 v42  }
0x165: {  	v13 =	vsel vm1, s26, v13;
	v40 =	vsel vm4, s26, v40;
	(erf) = vpow2.f32 v36  }
0x166: {  	v14 =	vsel vm0, s23, v14;
	v15 =	vsel vm6, v46, v15;
	v59 =	vmul.f32 $1.442695020e+00, v57;
	v36 =	vpop (erf)  }
0x167: {  	v16 =	vadd.f32 v41, v16;
	v54 =	vmul.f32 v41, v54;
	vm5 =	vgt.f32 v57, v29;
	v42 =	vpop (erf)  }
0x168: {  	v17 =	vsel vm6, s23, v17;
	v41 =	vmul.f32 v36, v20;
	(erf) = vpow2.f32 v56  }
0x169: {  	v35 =	vadd.f32 v54, v35;
	vm1 =	vgt.f32 v20, v32;
	(erf) = vpow2.f32 v58  }
0x16a: {  	vm6 =	vgt.f32 v33, v9;
	v54 =	vmul.f32 $1.442695020e+00, v47;
	(erf) = vpow2.f32 v45  }
0x16b: {  	v9 =	vsel vm6, v33, v9;
	v56 =	vmul.f32 v42, v50;
	(erf) = vpow2.f32 v51  }
0x16c: {  	v8 =	vsel vm6, s26, v8;
	v45 =	vmul.f32 $1.442695020e+00, v48;
	(erf) = vpow2.f32 v53  }
0x16d: {  	v7 =	vsel vm4, v52, v7;
	vm4 =	vgt.f32 v44, v9;
	v51 =	vpop (erf);
	(erf) = vpow2.f32 v54  }
0x16e: {  	v9 =	vsel vm4, v44, v9;
	v53 =	vmul.f32 $1.442695020e+00, v33;
	v54 =	vpop (erf);
	(erf) = vpow2.f32 v45  }
0x16f: {  	v13 =	vsel vm3, s23, v13;
	v8 =	vsel vm4, s23, v8;
	(erf) = vpow2.f32 v59  }
0x170: {  	vm3 =	vgt.f32 v47, v7;
	v50 =	vsel vm5, v57, v29;
	(erf) = vpow2.f32 v53  }
0x171: {  	v7 =	vsel vm3, v47, v7;
	vm4 =	vgt.f32 v21, v50;
	v45 =	vmul.f32 v39, v44;
	v29 =	vpop (erf)  }
0x172: {  	v44 =	vsel vm5, s26, v27;
	v25 =	vadd.f32 v29, v25;
	v49 =	vmul.f32 v29, v49;
	v27 =	vpop (erf)  }
0x173: {  	v16 =	vadd.f32 v51, v16;
	v53 =	vmul.f32 v51, v46;
	v58 =	vmul.f32 v27, v52;
	v46 =	vpop (erf)  }
0x174: {  	v10 =	vadd.f32 v54, v10;
	v52 =	vmul.f32 v54, v55;
	v2 =	vadd.f32 v49, v2;
	v29 =	vpop (erf)  }
.Ltmp6:
0x175: {  	v22 =	vadd.f32 v27, v22;
	v49 =	vmul.f32 v46, v21;
	v51 =	vmul.f32 v29, v19;
	v54 =	vpop (erf);
	(pc) =	sbr.rel @p1 .LBB2_9-.Ltmp6, $4  }
0x176: {  	v52 =	vadd.f32 v52, v26;
	v26 =	vmul.f32 v54, v30;
	v2 =	vadd.f32 v56, v2;
	v27 =	vpop (erf)  }
0x177: {  	v1 =	vadd.f32 v58, v1;
	v24 =	vadd.f32 v54, v24;
	v54 =	vmul.f32 v27, v47;
	v47 =	vpop (erf)  }
0x178: {  	v23 =	vadd.f32 v26, v23;
	v43 =	vadd.f32 v47, v43;
	v47 =	vmul.f32 v47, v48;
	v48 =	vpop (erf)  }
0x179: {  	s25 =	sadd.s32 $0x100, s25;
	v10 =	vadd.f32 v29, v10;
	v26 =	vmul.f32 v48, v57;
	v1 =	vadd.f32 v54, v1;
	v30 =	vpop (erf)  }
0x17a: {  	v25 =	vadd.f32 v42, v25  }
0x17b: {  	v22 =	vadd.f32 v27, v22;
	v11 =	vadd.f32 v48, v11  }
0x17c: {  	v35 =	vadd.f32 v53, v35;
	v6 =	vadd.f32 v30, v6  }
0x17d: {  	v24 =	vadd.f32 v34, v24;
	v23 =	vadd.f32 v38, v23  }
0x17e: {  	v29 =	vsel vm4, s23, v44;
	v27 =	vadd.f32 v51, v52;
	v0 =	vadd.f32 v47, v0  }
.Ltmp7:
0x17f: {  	v32 =	vsel vm1, v20, v32;
	v5 =	vadd.f32 v26, v5;
	v26 =	vmul.f32 v30, v33;
	(pc) =	sbr.rel .LBB2_11-.Ltmp7, $4  }
0x180: {  	v34 =	vsel vm0, v18, v28;
	v31 =	vsel vm1, s23, v31;
	v6 =	vadd.f32 v39, v6  }
0x181: {  	v30 =	vsel vm4, v21, v50;
	v0 =	vadd.f32 v41, v0;
	v3 =	vadd.f32 v26, v3  }
0x182: {  	v33 =	vsel vm2, v19, v37;
	v11 =	vadd.f32 v46, v11;
	v5 =	vadd.f32 v49, v5  }
0x183: {  	v39 =	vsel vm3, s23, v40;
	v26 =	vadd.f32 v36, v43;
	v3 =	vadd.f32 v45, v3  }
.LBB2_12:
0x184: {  	_ =	sfence.sel $0x180000  }
0x185: {  	[bflag:$0x0] =	sbarrier.arrive $0xFFFF  }
0x186: {  	p0 =	sne.s32 s0, $0x0;
	_ =	strace $0x90000047  }
0x187: {  	s0 =	sadd.s32 @!p0 $0x100000, s1;
	[bflag:$0x2] =	sbarrier.arrive $0xFFFF  }
0x188: {  	[sflag:s0] =	ssyncadd.tile.s32 @!p0 $0x1;
	_ =	shalt  }
.Lfunc_end2:
_tile_overlayer_lowered:
.L_overlay_start_2:
0x189: {  	(tag) =	ssettag $0x2  }
0x18a: {  	s0 =	rddreg [dreg:$0x0];
	s2 =	stileid.u32  }
0x18b: {  	s1 =	rddreg [dreg:$0x1];
	p0 =	sne.s32 s2, $0x0  }
0x18c: {  	s3 =	rddreg [dreg:$0x2];
	[bflag:$0x3] =	sbarrier.arrive $0xFFFF;
	s2 =	simm.s32 @!p0 $0x1C03  }
0x18d: {  	[timem:s3], [sflag:s2] =	dma.local @!p0 [hbm:s0], s1  }
0x18e: {  	s0 =	simm.s32 @!p0 $0x3  }
0x18f: {  	_ =	swait.ge @!p0 [sflag:s0], s1  }
0x190: {  	s1 =	ssub.s32 @!p0 $0x0, s1;
	[sflag:s0] =	ssyncset.done @!p0 $0x0  }
0x191: {  	[sflag:s0] =	ssyncadd.s32 @!p0 s1  }
0x192: {  	[bflag:$0x3] =	sbarrier.arrive $0xFFFF  }
0x193: {  	_ =	shalt  }

</sc_bundles>
